<compile_context>
chip_gen: v7x
topology: tpu7x:2x2x1
jax: 0.10.2.dev20260603
libtpu: 0.0.44.dev20260713+nightly
codegen_flags: <defaults>
</compile_context>

<pallas_src>
import functools

import jax
import jax.numpy as jnp
from jax import lax
from jax.experimental import pallas as pl
from jax.experimental.pallas import tpu as pltpu
from jax.experimental.pallas import tpu_sc as plsc

_B, _N, _CF = 16, 8192, 3
_G, _K, _D = 128, 32, 384
_EPS = 1e-5
_NC, _NS = 2, 16
_NW = _NC * _NS

_HI = jax.lax.Precision.HIGHEST


def _dot(a, b):
    return lax.dot_general(a, b, (((1,), (0,)), ((), ())),
                           preferred_element_type=jnp.float32, precision=_HI)


def _dot_nt(a, b):
    return lax.dot_general(a, b, (((1,), (1,)), ((), ())),
                           preferred_element_type=jnp.float32, precision=_HI)


def _dotd(a, b):
    return lax.dot_general(a, b, (((1,), (0,)), ((), ())),
                           preferred_element_type=jnp.float32,
                           precision=lax.Precision.DEFAULT)



def _fps_body(xyzT_ref, centerT_ref, dist_ref):
    x0 = xyzT_ref[0]
    x1 = xyzT_ref[1]
    x2 = xyzT_ref[2]
    dist_ref[...] = jnp.full((_B, _N), 1e10, jnp.float32)
    lane = lax.broadcasted_iota(jnp.int32, (_B, _N), 1)
    col = lax.broadcasted_iota(jnp.int32, (_B, _G), 1)
    zc = jnp.zeros((_B, _G), jnp.float32)

    def step(i, carry):
        far, a0, a1, a2 = carry
        mask = lane == far
        c0 = jnp.sum(jnp.where(mask, x0, 0.0), axis=1, keepdims=True)
        c1 = jnp.sum(jnp.where(mask, x1, 0.0), axis=1, keepdims=True)
        c2 = jnp.sum(jnp.where(mask, x2, 0.0), axis=1, keepdims=True)
        sel = col == i
        a0 = jnp.where(sel, c0, a0)
        a1 = jnp.where(sel, c1, a1)
        a2 = jnp.where(sel, c2, a2)
        d = (x0 - c0) ** 2 + (x1 - c1) ** 2 + (x2 - c2) ** 2
        nd = jnp.minimum(dist_ref[...], d)
        dist_ref[...] = nd
        m = jnp.max(nd, axis=1, keepdims=True)
        far = jnp.min(jnp.where(nd == m, lane, _N), axis=1,
                      keepdims=True).astype(jnp.int32)
        return far, a0, a1, a2

    _, a0, a1, a2 = lax.fori_loop(
        0, _G, step, (jnp.zeros((_B, 1), jnp.int32), zc, zc, zc))
    centerT_ref[0] = a0
    centerT_ref[1] = a1
    centerT_ref[2] = a2


def _fps_call(xyzT):
    return pl.pallas_call(
        _fps_body,
        out_shape=jax.ShapeDtypeStruct((3, _B, _G), jnp.float32),
        scratch_shapes=[pltpu.VMEM((_B, _N), jnp.float32)],
    )(xyzT)



def _knn_body(xyz3_ref, center_ref, out_ref, d2_ref):
    b = pl.program_id(0)
    xp = xyz3_ref[0]
    x0 = xp[0:1, :]
    x1 = xp[1:2, :]
    x2 = xp[2:3, :]
    c = center_ref[0]
    cx = c[:, 0:1]
    cy = c[:, 1:2]
    cz = c[:, 2:3]
    q2 = cx * cx + cy * cy + cz * cz
    x2s = x0 * x0 + x1 * x1 + x2 * x2
    inner = lax.dot_general(c, xp, (((1,), (0,)), ((), ())),
                            preferred_element_type=jnp.float32,
                            precision=lax.Precision.DEFAULT)
    d2_ref[...] = jnp.maximum(q2 + x2s - 2.0 * inner, 0.0)
    base = b * _N
    lane = lax.broadcasted_iota(jnp.int32, (_G, _N), 1)
    sub = lax.broadcasted_iota(jnp.int32, (_K, _G), 0)

    def step(k, acc):
        d2 = d2_ref[...]
        m = jnp.min(d2, axis=1, keepdims=True)
        idx = jnp.min(jnp.where(d2 == m, lane, _N), axis=1).astype(jnp.int32)
        acc = jnp.where(sub == k, (idx + base).reshape(1, _G), acc)
        d2_ref[...] = jnp.where(lane == idx.reshape(_G, 1), 1e30, d2)
        return acc

    out_ref[0] = lax.fori_loop(
        0, _K, step, jnp.zeros((_K, _G), jnp.int32))


def _knn_call(xyz3, center):
    return pl.pallas_call(
        _knn_body,
        grid=(_B,),
        in_specs=[
            pl.BlockSpec((1, 8, _N), lambda b: (b, 0, 0)),
            pl.BlockSpec((1, _G, 8), lambda b: (b, 0, 0)),
        ],
        out_specs=pl.BlockSpec((1, _K, _G), lambda b: (b, 0, 0)),
        out_shape=jax.ShapeDtypeStruct((_B, _K, _G), jnp.int32),
        scratch_shapes=[pltpu.VMEM((_G, _N), jnp.float32)],
    )(xyz3, center)



def _gather_rows(table, idx):
    btot = idx.shape[0]
    dd = table.shape[1]
    b_per_w = btot // _NW
    mesh = plsc.VectorSubcoreMesh(core_axis_name="c", subcore_axis_name="s")

    @functools.partial(
        pl.kernel,
        mesh=mesh,
        compiler_params=pltpu.CompilerParams(use_tc_tiling_on_sc=False),
        out_type=jax.ShapeDtypeStruct((btot, dd), jnp.float32),
        scratch_types=[
            pltpu.VMEM((b_per_w,), jnp.int32),
            pltpu.VMEM((b_per_w, dd), jnp.float32),
            pltpu.SemaphoreType.DMA,
        ],
    )
    def k(table_hbm, idx_hbm, out_hbm, idx_v, rows_v, sem):
        wid = lax.axis_index("s") * _NC + lax.axis_index("c")
        base = wid * b_per_w
        pltpu.sync_copy(idx_hbm.at[pl.ds(base, b_per_w)], idx_v)
        pltpu.async_copy(table_hbm.at[idx_v], rows_v, sem).wait()
        pltpu.sync_copy(rows_v, out_hbm.at[pl.ds(base, b_per_w)])

    return k(table, idx)



def _mlp_body(xg_ref, cen_ref, w1_ref, g1_ref, b1_ref, w2_ref, g2_ref, b2_ref,
              w3_ref, g3_ref, b3_ref, pf_ref, xa_ref, h1_ref):
    p = _B * _G
    n = _K * p
    ninv = 1.0 / n
    cen = cen_ref[...]
    ones = jnp.ones((1, p), jnp.float32)
    zeros = jnp.zeros((1, p), jnp.float32)
    w1 = w1_ref[...]
    w2 = w2_ref[...]
    w3 = w3_ref[...]

    def pass_a(k, m0):
        xk = xg_ref[pl.ds(k, 1)].reshape(16, p)
        xa = jnp.concatenate(
            [xk[0:3] - cen, xk[3:6], ones, zeros], axis=0)
        xa_ref[pl.ds(k, 1)] = xa.reshape(1, 8, p)
        return m0 + _dot_nt(xa, xa)

    m0 = lax.fori_loop(0, _K, pass_a, jnp.zeros((8, 8), jnp.float32))

    mean1 = _dot(w1, m0[:, 6:7]) * ninv
    t1 = _dot(w1, m0) * ninv
    e1 = jnp.sum(t1 * w1, axis=1, keepdims=True)
    var1 = e1 - mean1 * mean1
    a1 = g1_ref[...] * lax.rsqrt(var1 + _EPS)
    sh1 = b1_ref[...] - mean1 * a1

    def pass_b(k, carry):
        m1, s1 = carry
        xa = xa_ref[pl.ds(k, 1)].reshape(8, p)
        h = jnp.maximum(_dotd(w1, xa) * a1 + sh1, 0.0)
        h1_ref[pl.ds(k, 1)] = h.reshape(1, 64, p)
        return m1 + _dot_nt(h, h), s1 + jnp.sum(h, axis=1, keepdims=True)

    m1, s1 = lax.fori_loop(
        0, _K, pass_b,
        (jnp.zeros((64, 64), jnp.float32), jnp.zeros((64, 1), jnp.float32)))

    mean2 = _dot(w2, s1) * ninv
    t2 = _dot(w2, m1) * ninv
    e2 = jnp.sum(t2 * w2, axis=1, keepdims=True)
    var2 = e2 - mean2 * mean2
    a2 = g2_ref[...] * lax.rsqrt(var2 + _EPS)
    sh2 = b2_ref[...] - mean2 * a2

    def pass_c(k, carry):
        m2, s2 = carry
        h1 = h1_ref[pl.ds(k, 1)].reshape(64, p)
        h2 = jnp.maximum(_dotd(w2, h1) * a2 + sh2, 0.0)
        return m2 + _dot_nt(h2, h2), s2 + jnp.sum(h2, axis=1, keepdims=True)

    m2, s2 = lax.fori_loop(
        0, _K, pass_c,
        (jnp.zeros((128, 128), jnp.float32), jnp.zeros((128, 1), jnp.float32)))

    mean3 = _dot(w3, s2) * ninv
    t3 = _dot(w3, m2) * ninv
    e3 = jnp.sum(t3 * w3, axis=1, keepdims=True)
    var3 = e3 - mean3 * mean3
    a3 = g3_ref[...] * lax.rsqrt(var3 + _EPS)
    sh3 = b3_ref[...] - mean3 * a3

    pf_ref[...] = jnp.full((_D, p), -jnp.inf, jnp.float32)

    def pass_d(k, _):
        h1 = h1_ref[pl.ds(k, 1)].reshape(64, p)
        h2 = jnp.maximum(_dotd(w2, h1) * a2 + sh2, 0.0)
        y3 = _dotd(w3, h2) * a3 + sh3
        pf_ref[...] = jnp.maximum(pf_ref[...], y3)
        return 0

    lax.fori_loop(0, _K, pass_d, 0)


def _mlp_call(xg, cen, w1p, g1, b1, w2, g2, b2, w3, g3, b3):
    p = _B * _G
    return pl.pallas_call(
        _mlp_body,
        out_shape=jax.ShapeDtypeStruct((_D, p), jnp.float32),
        scratch_shapes=[
            pltpu.VMEM((_K, 8, p), jnp.float32),
            pltpu.VMEM((_K, 64, p), jnp.float32),
        ],
    )(xg, cen, w1p, g1.reshape(64, 1), b1.reshape(64, 1),
      w2, g2.reshape(128, 1), b2.reshape(128, 1),
      w3, g3.reshape(_D, 1), b3.reshape(_D, 1))



def kernel(xyz, features, W1, g1, b1, W2, g2, b2, W3, g3, b3):
    xyzT = jnp.transpose(xyz, (2, 0, 1))
    centerT = _fps_call(xyzT)
    center = jnp.transpose(centerT, (1, 2, 0))

    xyz3 = jnp.pad(jnp.transpose(xyz, (0, 2, 1)),
                   ((0, 0), (0, 5), (0, 0)))
    center_p = jnp.pad(center, ((0, 0), (0, 0), (0, 5)))
    knn_g = _knn_call(xyz3, center_p)
    idx_flat = jnp.transpose(knn_g, (1, 0, 2)).reshape(_K * _B * _G)

    table = jnp.concatenate([xyz, features], axis=-1).reshape(_B * _N, 6)
    table = jnp.pad(table, ((0, 0), (0, 10)))
    rows = _gather_rows(table, idx_flat)

    xg = jnp.transpose(rows.reshape(_K, _B * _G, 16), (0, 2, 1))
    cen = jnp.transpose(center.reshape(_B * _G, 3), (1, 0))
    w1p = jnp.pad(W1, ((0, 0), (0, 2)))
    pf_t = _mlp_call(xg, cen, w1p, g1, b1, W2, g2, b2, W3, g3, b3)
    pf = jnp.transpose(pf_t, (1, 0)).reshape(_B, _G, _D)
    return (center, pf)

# --- scband reference (transcript-rebuilt; emitter-appended) ---
"""Pipeline reference for scband-point-patch-embed-78323023610180 (READ-ONLY COPY).

The authoritative reference and input builder live on the scoring server;
editing this copy changes nothing except your own understanding.
"""

import jax, jax.numpy as jnp
import numpy as np

B, N, Cf = 16, 8192, 3
G, K, D = 128, 32, 384
EPS = 1e-5

def fps(xyz, npoint):
    Bsz, Np, _ = xyz.shape
    distance = jnp.full((Bsz, Np), 1e10, dtype=xyz.dtype)
    farthest = jnp.zeros((Bsz,), dtype=jnp.int32)
    bidx = jnp.arange(Bsz)
    cents = []
    for _ in range(npoint):
        cents.append(farthest)
        centroid = xyz[bidx, farthest][:, None, :]
        dist = jnp.sum((xyz - centroid) ** 2, axis=-1)
        distance = jnp.minimum(distance, dist)
        farthest = jnp.argmax(distance, axis=-1).astype(jnp.int32)
    return jnp.stack(cents, axis=1)

def knn_point(k, xyz, q):
    q2 = jnp.sum(q * q, -1)[:, :, None]
    x2 = jnp.sum(xyz * xyz, -1)[:, None, :]
    d2 = jnp.maximum(q2 + x2 - 2.0 * jnp.einsum('bsc,bnc->bsn', q, xyz), 0.0)
    dist = jnp.sqrt(d2)
    _, idx = jax.lax.top_k(-dist, k)
    return idx

def bn_train(x, g, b):
    mean = jnp.mean(x, axis=(0, 2), keepdims=True)
    var = jnp.mean((x - mean) ** 2, axis=(0, 2), keepdims=True)
    return ((x - mean) / jnp.sqrt(var + EPS)) * g[None, :, None] + b[None, :, None]

def setup_inputs(seed: int = 0):
    key = jax.random.key(seed)
    ks = jax.random.split(key, 8)
    return {
        'xyz': jax.random.normal(ks[0], (B, N, 3), jnp.float32),
        'features': jax.random.normal(ks[1], (B, N, Cf), jnp.float32),
        'W1': jax.random.normal(ks[2], (64, Cf + 3), jnp.float32) * 0.1,
        'g1': jnp.ones((64,), jnp.float32), 'b1': jnp.zeros((64,), jnp.float32),
        'W2': jax.random.normal(ks[3], (128, 64), jnp.float32) * 0.05,
        'g2': jnp.ones((128,), jnp.float32), 'b2': jnp.zeros((128,), jnp.float32),
        'W3': jax.random.normal(ks[4], (D, 128), jnp.float32) * 0.05,
        'g3': jnp.ones((D,), jnp.float32), 'b3': jnp.zeros((D,), jnp.float32),
    }

def reference(xyz, features, W1, g1, b1, W2, g2, b2, W3, g3, b3):
    Bsz = xyz.shape[0]
    fps_idx = fps(xyz, G)
    center = xyz[jnp.arange(Bsz)[:, None], fps_idx]
    knn_idx = knn_point(K, xyz, center)
    bidx = jnp.arange(Bsz)[:, None, None]
    grouped_xyz = xyz[bidx, knn_idx]
    gnorm = grouped_xyz - center[:, :, None, :]
    gfeat = features[bidx, knn_idx]
    gi = jnp.concatenate([gnorm, gfeat], axis=-1)
    x = gi.reshape(Bsz * G, K, Cf + 3).transpose(0, 2, 1)
    x = jax.nn.relu(bn_train(jnp.einsum('oc,bck->bok', W1, x), g1, b1))
    x = jax.nn.relu(bn_train(jnp.einsum('oc,bck->bok', W2, x), g2, b2))
    x = bn_train(jnp.einsum('oc,bck->bok', W3, x), g3, b3)
    pf = jnp.max(x, axis=-1).reshape(Bsz, G, D)
    return (center, pf)

if __name__ == "__main__":
    import jax
    _d = setup_inputs()
    print(jax.jit(kernel)(*tuple(_d.values())))

</pallas_src>

<mosaic_0001>
#map = affine_map<(d0, d1) -> (0, 0)>
#map1 = affine_map<(d0, d1) -> (0)>
module attributes {stable_mosaic.version = 14 : i64} {
  func.func @k(%arg0: i32, %arg1: i32, %arg2: memref<131072x16xf32, #tpu.memory_space<hbm>>, %arg3: memref<65536xi32, #tpu.memory_space<hbm>>, %arg4: memref<65536x16xf32, #tpu.memory_space<hbm>>, %arg5: memref<2048xi32, #tpu.memory_space<vmem>>, %arg6: memref<2048x16xf32, #tpu.memory_space<vmem>>, %arg7: memref<!tpu.dma_semaphore, #tpu.memory_space<semaphore_mem>>) attributes {dimension_semantics = [#tpu.dimension_semantics<core_parallel>, #tpu.dimension_semantics<subcore_parallel>], iteration_bounds = array<i64: 2, 16>, scalar_prefetch = 0 : i64, scratch_operands = 3 : i64, tpu.core_type = #tpu.core_type<sc_vector_subcore>, window_params = [{transform_indices = #map}, {transform_indices = #map1}, {transform_indices = #map}]} {
    %mul3A = arith.constant 2 : i32
    %mul3A_0 = arith.muli %arg1, %mul3A : i32
    %add3A = arith.addi %mul3A_0, %arg0 : i32
    %mul3A_1 = arith.constant 2048 : i32
    %mul3A_2 = arith.muli %add3A, %mul3A_1 : i32
    "tpu.region"() ({
      %run_scoped3A = tpu.sem_alloc : memref<!tpu.dma_semaphore, #tpu.memory_space<semaphore_mem>>
      %dma_start3A_7 = tpu.memref_slice %arg3[%mul3A_2] : memref<65536xi32, #tpu.memory_space<hbm>> -> memref<2048xi32, #tpu.memory_space<hbm>>
      %dma_start3A_8 = tpu.memref_slice %arg3[%mul3A_2] : memref<65536xi32, #tpu.memory_space<hbm>> -> memref<2048xi32, #tpu.memory_space<hbm>>
      tpu.enqueue_dma source(%dma_start3A_8 : memref<2048xi32, #tpu.memory_space<hbm>>) target(%arg5 : memref<2048xi32, #tpu.memory_space<vmem>>) target_semaphore(%run_scoped3A : memref<!tpu.dma_semaphore, #tpu.memory_space<semaphore_mem>>)
      %dma_wait3A_9 = tpu.memref_slice %arg3[%mul3A_2] : memref<65536xi32, #tpu.memory_space<hbm>> -> memref<2048xi32, #tpu.memory_space<hbm>>
      %dma_wait3A_10 = tpu.memref_slice %arg3[%mul3A_2] : memref<65536xi32, #tpu.memory_space<hbm>> -> memref<2048xi32, #tpu.memory_space<hbm>>
      tpu.wait_dma2 semaphore(%run_scoped3A : memref<!tpu.dma_semaphore, #tpu.memory_space<semaphore_mem>>) src(%dma_wait3A_10 : memref<2048xi32, #tpu.memory_space<hbm>>) dst(%arg5 : memref<2048xi32, #tpu.memory_space<vmem>>)
      tpu.yield
    }) : () -> ()
    %dma_start3A = arith.constant 0 : i32
    %dma_start3A_3 = arith.constant 0 : i32
    %dma_start3A_4 = tpu.memref_slice %arg2[%dma_start3A, %dma_start3A_3] : memref<131072x16xf32, #tpu.memory_space<hbm>> -> memref<131072x16xf32, #tpu.memory_space<hbm>>
    tpu.enqueue_indirect_dma source(%dma_start3A_4 : memref<131072x16xf32, #tpu.memory_space<hbm>>) target(%arg6 : memref<2048x16xf32, #tpu.memory_space<vmem>>) offsets(%arg5 : memref<2048xi32, #tpu.memory_space<vmem>>) semaphore(%arg7 : memref<!tpu.dma_semaphore, #tpu.memory_space<semaphore_mem>>)
    %dma_wait3A = arith.constant 0 : i32
    %dma_wait3A_5 = arith.constant 0 : i32
    %dma_wait3A_6 = tpu.memref_slice %arg2[%dma_wait3A, %dma_wait3A_5] : memref<131072x16xf32, #tpu.memory_space<hbm>> -> memref<131072x16xf32, #tpu.memory_space<hbm>>
    tpu.wait_indirect_dma semaphore(%arg7 : memref<!tpu.dma_semaphore, #tpu.memory_space<semaphore_mem>>) src(%dma_wait3A_6 : memref<131072x16xf32, #tpu.memory_space<hbm>>) dst(%arg6 : memref<2048x16xf32, #tpu.memory_space<vmem>>)
    "tpu.region"() ({
      %run_scoped3A = tpu.sem_alloc : memref<!tpu.dma_semaphore, #tpu.memory_space<semaphore_mem>>
      %dma_start3A_7 = arith.constant 0 : i32
      %dma_start3A_8 = tpu.memref_slice %arg4[%mul3A_2, %dma_start3A_7] : memref<65536x16xf32, #tpu.memory_space<hbm>> -> memref<2048x16xf32, #tpu.memory_space<hbm>>
      %dma_start3A_9 = arith.constant 0 : i32
      %dma_start3A_10 = tpu.memref_slice %arg4[%mul3A_2, %dma_start3A_9] : memref<65536x16xf32, #tpu.memory_space<hbm>> -> memref<2048x16xf32, #tpu.memory_space<hbm>>
      tpu.enqueue_dma source(%arg6 : memref<2048x16xf32, #tpu.memory_space<vmem>>) target(%dma_start3A_10 : memref<2048x16xf32, #tpu.memory_space<hbm>>) target_semaphore(%run_scoped3A : memref<!tpu.dma_semaphore, #tpu.memory_space<semaphore_mem>>)
      %dma_wait3A_11 = arith.constant 0 : i32
      %dma_wait3A_12 = tpu.memref_slice %arg4[%mul3A_2, %dma_wait3A_11] : memref<65536x16xf32, #tpu.memory_space<hbm>> -> memref<2048x16xf32, #tpu.memory_space<hbm>>
      %dma_wait3A_13 = arith.constant 0 : i32
      %dma_wait3A_14 = tpu.memref_slice %arg4[%mul3A_2, %dma_wait3A_13] : memref<65536x16xf32, #tpu.memory_space<hbm>> -> memref<2048x16xf32, #tpu.memory_space<hbm>>
      tpu.wait_dma2 semaphore(%run_scoped3A : memref<!tpu.dma_semaphore, #tpu.memory_space<semaphore_mem>>) src(%arg6 : memref<2048x16xf32, #tpu.memory_space<vmem>>) dst(%dma_wait3A_14 : memref<2048x16xf32, #tpu.memory_space<hbm>>)
      tpu.yield
    }) : () -> ()
    return
  }
}

module attributes {stable_mosaic.version = 14 : i64} {
  func.func @_fps_body(%arg0: memref<3x16x8192xf32, #tpu.memory_space<vmem>>, %arg1: memref<3x16x128xf32, #tpu.memory_space<vmem>>, %arg2: memref<16x8192xf32, #tpu.memory_space<vmem>>) attributes {dimension_semantics = [], scalar_prefetch = 0 : i64, scratch_operands = 1 : i64, tpu.core_type = #tpu.core_type<tc>} {
    %get3A = arith.constant 0 : index
    %get3A_0 = arith.constant 0 : index
    %get3A_1 = arith.constant 0 : index
    %get3A_2 = vector.load %arg0[%get3A, %get3A_0, %get3A_1] : memref<3x16x8192xf32, #tpu.memory_space<vmem>>, vector<1x16x8192xf32>
    %get3A_3 = vector.shape_cast %get3A_2 : vector<1x16x8192xf32> to vector<16x8192xf32>
    %get3A_4 = arith.constant 1 : index
    %get3A_5 = arith.constant 0 : index
    %get3A_6 = arith.constant 0 : index
    %get3A_7 = vector.load %arg0[%get3A_4, %get3A_5, %get3A_6] : memref<3x16x8192xf32, #tpu.memory_space<vmem>>, vector<1x16x8192xf32>
    %get3A_8 = vector.shape_cast %get3A_7 : vector<1x16x8192xf32> to vector<16x8192xf32>
    %get3A_9 = arith.constant 2 : index
    %get3A_10 = arith.constant 0 : index
    %get3A_11 = arith.constant 0 : index
    %get3A_12 = vector.load %arg0[%get3A_9, %get3A_10, %get3A_11] : memref<3x16x8192xf32, #tpu.memory_space<vmem>>, vector<1x16x8192xf32>
    %get3A_13 = vector.shape_cast %get3A_12 : vector<1x16x8192xf32> to vector<16x8192xf32>
    %broadcast_in_dim3A = arith.constant 1.000000e+10 : f32
    %broadcast_in_dim3A_14 = vector.broadcast %broadcast_in_dim3A : f32 to vector<16x8192xf32>
    %swap3A = arith.constant 0 : index
    %swap3A_15 = arith.constant 0 : index
    %swap3A_16 = vector.load %arg2[%swap3A, %swap3A_15] : memref<16x8192xf32, #tpu.memory_space<vmem>>, vector<16x8192xf32>
    tpu.vector_store %arg2[%swap3A, %swap3A_15], %broadcast_in_dim3A_14 {strides = array<i32>} : memref<16x8192xf32, #tpu.memory_space<vmem>>, vector<16x8192xf32>,
    %iota3A = tpu.iota {dimensions = array<i32: 1>} : vector<16x8192xi32>
    %iota3A_17 = tpu.iota {dimensions = array<i32: 1>} : vector<16x128xi32>
    %broadcast_in_dim3A_18 = arith.constant 0.000000e+00 : f32
    %broadcast_in_dim3A_19 = vector.broadcast %broadcast_in_dim3A_18 : f32 to vector<16x128xf32>
    %broadcast_in_dim3A_20 = arith.constant 0 : i32
    %broadcast_in_dim3A_21 = vector.broadcast %broadcast_in_dim3A_20 : i32 to vector<16x1xi32>
    %scan3A = arith.constant 0 : i32
    %scan3A_22 = arith.constant 128 : i32
    %scan3A_23 = arith.addi %scan3A, %scan3A_22 : i32
    %scan3A_24 = arith.constant 1 : i32
    %scan3A_25:4 = scf.for %scan3A_45 = %scan3A to %scan3A_23 step %scan3A_24 iter_args(%scan3A_46 = %broadcast_in_dim3A_21, %scan3A_47 = %broadcast_in_dim3A_19, %scan3A_48 = %broadcast_in_dim3A_19, %scan3A_49 = %broadcast_in_dim3A_19) -> (vector<16x1xi32>, vector<16x128xf32>, vector<16x128xf32>, vector<16x128xf32>)  : i32 {
      %eq3A = vector.broadcast %scan3A_46 : vector<16x1xi32> to vector<16x8192xi32>
      %eq3A_50 = arith.cmpi eq, %iota3A, %eq3A : vector<16x8192xi32>
      %jit3A = arith.constant 0.000000e+00 : f32
      %broadcast_in_dim3A_51 = vector.broadcast %jit3A : f32 to vector<16x8192xf32>
      %select_n3A = arith.select %eq3A_50, %get3A_3, %broadcast_in_dim3A_51 : vector<16x8192xi1>, vector<16x8192xf32>
      %reduce_sum3A = arith.constant dense<0.000000e+00> : vector<16xf32>
      %reduce_sum3A_52 = vector.multi_reduction <add>, %select_n3A, %reduce_sum3A [1] : vector<16x8192xf32> to vector<16xf32>
      %broadcast_in_dim3A_53 = vector.shape_cast %reduce_sum3A_52 : vector<16xf32> to vector<16x1xf32>
      %jit3A_54 = arith.constant 0.000000e+00 : f32
      %broadcast_in_dim3A_55 = vector.broadcast %jit3A_54 : f32 to vector<16x8192xf32>
      %select_n3A_56 = arith.select %eq3A_50, %get3A_8, %broadcast_in_dim3A_55 : vector<16x8192xi1>, vector<16x8192xf32>
      %reduce_sum3A_57 = arith.constant dense<0.000000e+00> : vector<16xf32>
      %reduce_sum3A_58 = vector.multi_reduction <add>, %select_n3A_56, %reduce_sum3A_57 [1] : vector<16x8192xf32> to vector<16xf32>
      %broadcast_in_dim3A_59 = vector.shape_cast %reduce_sum3A_58 : vector<16xf32> to vector<16x1xf32>
      %jit3A_60 = arith.constant 0.000000e+00 : f32
      %broadcast_in_dim3A_61 = vector.broadcast %jit3A_60 : f32 to vector<16x8192xf32>
      %select_n3A_62 = arith.select %eq3A_50, %get3A_13, %broadcast_in_dim3A_61 : vector<16x8192xi1>, vector<16x8192xf32>
      %reduce_sum3A_63 = arith.constant dense<0.000000e+00> : vector<16xf32>
      %reduce_sum3A_64 = vector.multi_reduction <add>, %select_n3A_62, %reduce_sum3A_63 [1] : vector<16x8192xf32> to vector<16xf32>
      %broadcast_in_dim3A_65 = vector.shape_cast %reduce_sum3A_64 : vector<16xf32> to vector<16x1xf32>
      %eq3A_66 = vector.broadcast %scan3A_45 : i32 to vector<16x128xi32>
      %eq3A_67 = arith.cmpi eq, %iota3A_17, %eq3A_66 : vector<16x128xi32>
      %broadcast_in_dim3A_68 = vector.shape_cast %broadcast_in_dim3A_53 : vector<16x1xf32> to vector<16x1xf32>
      %broadcast_in_dim3A_69 = vector.broadcast %broadcast_in_dim3A_68 : vector<16x1xf32> to vector<16x128xf32>
      %select_n3A_70 = arith.select %eq3A_67, %broadcast_in_dim3A_69, %scan3A_47 : vector<16x128xi1>, vector<16x128xf32>
      %broadcast_in_dim3A_71 = vector.shape_cast %broadcast_in_dim3A_59 : vector<16x1xf32> to vector<16x1xf32>
      %broadcast_in_dim3A_72 = vector.broadcast %broadcast_in_dim3A_71 : vector<16x1xf32> to vector<16x128xf32>
      %select_n3A_73 = arith.select %eq3A_67, %broadcast_in_dim3A_72, %scan3A_48 : vector<16x128xi1>, vector<16x128xf32>
      %broadcast_in_dim3A_74 = vector.shape_cast %broadcast_in_dim3A_65 : vector<16x1xf32> to vector<16x1xf32>
      %broadcast_in_dim3A_75 = vector.broadcast %broadcast_in_dim3A_74 : vector<16x1xf32> to vector<16x128xf32>
      %select_n3A_76 = arith.select %eq3A_67, %broadcast_in_dim3A_75, %scan3A_49 : vector<16x128xi1>, vector<16x128xf32>
      %sub3A = vector.broadcast %broadcast_in_dim3A_53 : vector<16x1xf32> to vector<16x8192xf32>
      %sub3A_77 = arith.subf %get3A_3, %sub3A : vector<16x8192xf32>
      %integer_pow3A = arith.mulf %sub3A_77, %sub3A_77 : vector<16x8192xf32>
      %sub3A_78 = vector.broadcast %broadcast_in_dim3A_59 : vector<16x1xf32> to vector<16x8192xf32>
      %sub3A_79 = arith.subf %get3A_8, %sub3A_78 : vector<16x8192xf32>
      %integer_pow3A_80 = arith.mulf %sub3A_79, %sub3A_79 : vector<16x8192xf32>
      %add3A = arith.addf %integer_pow3A, %integer_pow3A_80 : vector<16x8192xf32>
      %sub3A_81 = vector.broadcast %broadcast_in_dim3A_65 : vector<16x1xf32> to vector<16x8192xf32>
      %sub3A_82 = arith.subf %get3A_13, %sub3A_81 : vector<16x8192xf32>
      %integer_pow3A_83 = arith.mulf %sub3A_82, %sub3A_82 : vector<16x8192xf32>
      %add3A_84 = arith.addf %add3A, %integer_pow3A_83 : vector<16x8192xf32>
      %get3A_85 = arith.constant 0 : index
      %get3A_86 = arith.constant 0 : index
      %get3A_87 = vector.load %arg2[%get3A_85, %get3A_86] : memref<16x8192xf32, #tpu.memory_space<vmem>>, vector<16x8192xf32>
      %min3A = arith.minimumf %get3A_87, %add3A_84 : vector<16x8192xf32>
      %swap3A_88 = arith.constant 0 : index
      %swap3A_89 = arith.constant 0 : index
      %swap3A_90 = vector.load %arg2[%swap3A_88, %swap3A_89] : memref<16x8192xf32, #tpu.memory_space<vmem>>, vector<16x8192xf32>
      tpu.vector_store %arg2[%swap3A_88, %swap3A_89], %min3A {strides = array<i32>} : memref<16x8192xf32, #tpu.memory_space<vmem>>, vector<16x8192xf32>,
      %reduce_max3A = arith.constant dense<0xFF800000> : vector<16xf32>
      %reduce_max3A_91 = vector.multi_reduction <maximumf>, %min3A, %reduce_max3A [1] : vector<16x8192xf32> to vector<16xf32>
      %broadcast_in_dim3A_92 = vector.shape_cast %reduce_max3A_91 : vector<16xf32> to vector<16x1xf32>
      %eq3A_93 = vector.broadcast %broadcast_in_dim3A_92 : vector<16x1xf32> to vector<16x8192xf32>
      %eq3A_94 = arith.cmpf oeq, %min3A, %eq3A_93 : vector<16x8192xf32>
      %jit3A_95 = arith.constant 8192 : i32
      %broadcast_in_dim3A_96 = vector.broadcast %jit3A_95 : i32 to vector<16x8192xi32>
      %select_n3A_97 = arith.select %eq3A_94, %iota3A, %broadcast_in_dim3A_96 : vector<16x8192xi1>, vector<16x8192xi32>
      %reduce_min3A = arith.constant dense<2147483647> : vector<16xi32>
      %reduce_min3A_98 = vector.multi_reduction <minsi>, %select_n3A_97, %reduce_min3A [1] : vector<16x8192xi32> to vector<16xi32>
      %broadcast_in_dim3A_99 = vector.shape_cast %reduce_min3A_98 : vector<16xi32> to vector<16x1xi32>
      scf.yield %broadcast_in_dim3A_99, %select_n3A_70, %select_n3A_73, %select_n3A_76 : vector<16x1xi32>, vector<16x128xf32>, vector<16x128xf32>, vector<16x128xf32>
    }
    %scan3A_26 = arith.constant 128 : i32
    %swap3A_27 = arith.constant 0 : index
    %swap3A_28 = arith.constant 0 : index
    %swap3A_29 = arith.constant 0 : index
    %swap3A_30 = vector.load %arg1[%swap3A_27, %swap3A_28, %swap3A_29] : memref<3x16x128xf32, #tpu.memory_space<vmem>>, vector<1x16x128xf32>
    %swap3A_31 = vector.shape_cast %swap3A_30 : vector<1x16x128xf32> to vector<16x128xf32>
    %swap3A_32 = vector.shape_cast %scan3A_25#1 : vector<16x128xf32> to vector<1x16x128xf32>
    tpu.vector_store %arg1[%swap3A_27, %swap3A_28, %swap3A_29], %swap3A_32 {strides = array<i32>} : memref<3x16x128xf32, #tpu.memory_space<vmem>>, vector<1x16x128xf32>,
    %swap3A_33 = arith.constant 1 : index
    %swap3A_34 = arith.constant 0 : index
    %swap3A_35 = arith.constant 0 : index
    %swap3A_36 = vector.load %arg1[%swap3A_33, %swap3A_34, %swap3A_35] : memref<3x16x128xf32, #tpu.memory_space<vmem>>, vector<1x16x128xf32>
    %swap3A_37 = vector.shape_cast %swap3A_36 : vector<1x16x128xf32> to vector<16x128xf32>
    %swap3A_38 = vector.shape_cast %scan3A_25#2 : vector<16x128xf32> to vector<1x16x128xf32>
    tpu.vector_store %arg1[%swap3A_33, %swap3A_34, %swap3A_35], %swap3A_38 {strides = array<i32>} : memref<3x16x128xf32, #tpu.memory_space<vmem>>, vector<1x16x128xf32>,
    %swap3A_39 = arith.constant 2 : index
    %swap3A_40 = arith.constant 0 : index
    %swap3A_41 = arith.constant 0 : index
    %swap3A_42 = vector.load %arg1[%swap3A_39, %swap3A_40, %swap3A_41] : memref<3x16x128xf32, #tpu.memory_space<vmem>>, vector<1x16x128xf32>
    %swap3A_43 = vector.shape_cast %swap3A_42 : vector<1x16x128xf32> to vector<16x128xf32>
    %swap3A_44 = vector.shape_cast %scan3A_25#3 : vector<16x128xf32> to vector<1x16x128xf32>
    tpu.vector_store %arg1[%swap3A_39, %swap3A_40, %swap3A_41], %swap3A_44 {strides = array<i32>} : memref<3x16x128xf32, #tpu.memory_space<vmem>>, vector<1x16x128xf32>,
    return
  }
}

module attributes {stable_mosaic.version = 14 : i64} {
  func.func @_knn_body(%arg0: i32, %arg1: memref<1x8x8192xf32, #tpu.memory_space<vmem>>, %arg2: memref<1x128x8xf32, #tpu.memory_space<vmem>>, %arg3: memref<1x32x128xi32, #tpu.memory_space<vmem>>, %arg4: memref<128x8192xf32, #tpu.memory_space<vmem>>) attributes {dimension_semantics = [#tpu.dimension_semantics<arbitrary>], iteration_bounds = array<i64: 16>, scalar_prefetch = 0 : i64, scratch_operands = 1 : i64, tpu.core_type = #tpu.core_type<tc>, window_params = [{transform_indices = @transform_0, window_bounds = array<i64: 1, 8, 8192>}, {transform_indices = @transform_1, window_bounds = array<i64: 1, 128, 8>}, {transform_indices = @transform_2, window_bounds = array<i64: 1, 32, 128>}]} {
    %get3A = arith.constant 0 : index
    %get3A_0 = arith.constant 0 : index
    %get3A_1 = arith.constant 0 : index
    %get3A_2 = vector.load %arg1[%get3A, %get3A_0, %get3A_1] : memref<1x8x8192xf32, #tpu.memory_space<vmem>>, vector<1x8x8192xf32>
    %get3A_3 = vector.shape_cast %get3A_2 : vector<1x8x8192xf32> to vector<8x8192xf32>
    %slice3A = vector.extract_strided_slice %get3A_3 {offsets = [0, 0], sizes = [1, 8192], strides = [1, 1]} : vector<8x8192xf32> to vector<1x8192xf32>
    %slice3A_4 = vector.extract_strided_slice %get3A_3 {offsets = [1, 0], sizes = [1, 8192], strides = [1, 1]} : vector<8x8192xf32> to vector<1x8192xf32>
    %slice3A_5 = vector.extract_strided_slice %get3A_3 {offsets = [2, 0], sizes = [1, 8192], strides = [1, 1]} : vector<8x8192xf32> to vector<1x8192xf32>
    %get3A_6 = arith.constant 0 : index
    %get3A_7 = arith.constant 0 : index
    %get3A_8 = arith.constant 0 : index
    %get3A_9 = vector.load %arg2[%get3A_6, %get3A_7, %get3A_8] : memref<1x128x8xf32, #tpu.memory_space<vmem>>, vector<1x128x8xf32>
    %get3A_10 = vector.shape_cast %get3A_9 : vector<1x128x8xf32> to vector<128x8xf32>
    %slice3A_11 = vector.extract_strided_slice %get3A_10 {offsets = [0, 0], sizes = [128, 1], strides = [1, 1]} : vector<128x8xf32> to vector<128x1xf32>
    %slice3A_12 = vector.extract_strided_slice %get3A_10 {offsets = [0, 1], sizes = [128, 1], strides = [1, 1]} : vector<128x8xf32> to vector<128x1xf32>
    %slice3A_13 = vector.extract_strided_slice %get3A_10 {offsets = [0, 2], sizes = [128, 1], strides = [1, 1]} : vector<128x8xf32> to vector<128x1xf32>
    %mul3A = arith.mulf %slice3A_11, %slice3A_11 : vector<128x1xf32>
    %mul3A_14 = arith.mulf %slice3A_12, %slice3A_12 : vector<128x1xf32>
    %add3A = arith.addf %mul3A, %mul3A_14 : vector<128x1xf32>
    %mul3A_15 = arith.mulf %slice3A_13, %slice3A_13 : vector<128x1xf32>
    %add3A_16 = arith.addf %add3A, %mul3A_15 : vector<128x1xf32>
    %mul3A_17 = arith.mulf %slice3A, %slice3A : vector<1x8192xf32>
    %mul3A_18 = arith.mulf %slice3A_4, %slice3A_4 : vector<1x8192xf32>
    %add3A_19 = arith.addf %mul3A_17, %mul3A_18 : vector<1x8192xf32>
    %mul3A_20 = arith.mulf %slice3A_5, %slice3A_5 : vector<1x8192xf32>
    %add3A_21 = arith.addf %add3A_19, %mul3A_20 : vector<1x8192xf32>
    %dot_general3A = arith.constant dense<0.000000e+00> : vector<128x8192xf32>
    %dot_general3A_22 = tpu.matmul %get3A_10, %get3A_3, %dot_general3A {dimension_numbers = #tpu.dot_dimension_numbers<[1], [0], [0], [1], [0, 0, 1, 1], [], []>, transpose_lhs_hint = false} : vector<128x8xf32>, vector<8x8192xf32>, vector<128x8192xf32> -> vector<128x8192xf32>
    %add3A_23 = vector.broadcast %add3A_16 : vector<128x1xf32> to vector<128x8192xf32>
    %add3A_24 = vector.broadcast %add3A_21 : vector<1x8192xf32> to vector<128x8192xf32>
    %add3A_25 = arith.addf %add3A_23, %add3A_24 : vector<128x8192xf32>
    %mul3A_26 = arith.constant 2.000000e+00 : f32
    %mul3A_27 = vector.broadcast %mul3A_26 : f32 to vector<128x8192xf32>
    %mul3A_28 = arith.mulf %mul3A_27, %dot_general3A_22 : vector<128x8192xf32>
    %sub3A = arith.subf %add3A_25, %mul3A_28 : vector<128x8192xf32>
    %max3A = arith.constant 0.000000e+00 : f32
    %max3A_29 = vector.broadcast %max3A : f32 to vector<128x8192xf32>
    %max3A_30 = arith.maximumf %sub3A, %max3A_29 : vector<128x8192xf32>
    %swap3A = arith.constant 0 : index
    %swap3A_31 = arith.constant 0 : index
    %swap3A_32 = vector.load %arg4[%swap3A, %swap3A_31] : memref<128x8192xf32, #tpu.memory_space<vmem>>, vector<128x8192xf32>
    tpu.vector_store %arg4[%swap3A, %swap3A_31], %max3A_30 {strides = array<i32>} : memref<128x8192xf32, #tpu.memory_space<vmem>>, vector<128x8192xf32>,
    %mul3A_33 = arith.constant 8192 : i32
    %mul3A_34 = arith.muli %arg0, %mul3A_33 : i32
    %iota3A = tpu.iota {dimensions = array<i32: 1>} : vector<128x8192xi32>
    %iota3A_35 = tpu.iota {dimensions = array<i32: 0>} : vector<32x128xi32>
    %broadcast_in_dim3A = arith.constant 0 : i32
    %broadcast_in_dim3A_36 = vector.broadcast %broadcast_in_dim3A : i32 to vector<32x128xi32>
    %scan3A = arith.constant 0 : i32
    %scan3A_37 = arith.constant 32 : i32
    %scan3A_38 = arith.addi %scan3A, %scan3A_37 : i32
    %scan3A_39 = arith.constant 1 : i32
    %scan3A_40 = scf.for %scan3A_48 = %scan3A to %scan3A_38 step %scan3A_39 iter_args(%scan3A_49 = %broadcast_in_dim3A_36) -> (vector<32x128xi32>)  : i32 {
      %get3A_50 = arith.constant 0 : index
      %get3A_51 = arith.constant 0 : index
      %get3A_52 = vector.load %arg4[%get3A_50, %get3A_51] : memref<128x8192xf32, #tpu.memory_space<vmem>>, vector<128x8192xf32>
      %reduce_min3A = arith.constant dense<0x7F800000> : vector<128xf32>
      %reduce_min3A_53 = vector.multi_reduction <minimumf>, %get3A_52, %reduce_min3A [1] : vector<128x8192xf32> to vector<128xf32>
      %broadcast_in_dim3A_54 = vector.shape_cast %reduce_min3A_53 : vector<128xf32> to vector<128x1xf32>
      %eq3A = vector.broadcast %broadcast_in_dim3A_54 : vector<128x1xf32> to vector<128x8192xf32>
      %eq3A_55 = arith.cmpf oeq, %get3A_52, %eq3A : vector<128x8192xf32>
      %jit3A = arith.constant 8192 : i32
      %broadcast_in_dim3A_56 = vector.broadcast %jit3A : i32 to vector<128x8192xi32>
      %select_n3A = arith.select %eq3A_55, %iota3A, %broadcast_in_dim3A_56 : vector<128x8192xi1>, vector<128x8192xi32>
      %reduce_min3A_57 = arith.constant dense<2147483647> : vector<128xi32>
      %reduce_min3A_58 = vector.multi_reduction <minsi>, %select_n3A, %reduce_min3A_57 [1] : vector<128x8192xi32> to vector<128xi32>
      %eq3A_59 = vector.broadcast %scan3A_48 : i32 to vector<32x128xi32>
      %eq3A_60 = arith.cmpi eq, %iota3A_35, %eq3A_59 : vector<32x128xi32>
      %add3A_61 = vector.broadcast %mul3A_34 : i32 to vector<128xi32>
      %add3A_62 = arith.addi %reduce_min3A_58, %add3A_61 : vector<128xi32>
      %reshape3A = vector.shape_cast %add3A_62 : vector<128xi32> to vector<1x128xi32>
      %broadcast_in_dim3A_63 = vector.shape_cast %reshape3A : vector<1x128xi32> to vector<1x128xi32>
      %broadcast_in_dim3A_64 = vector.broadcast %broadcast_in_dim3A_63 : vector<1x128xi32> to vector<32x128xi32>
      %select_n3A_65 = arith.select %eq3A_60, %broadcast_in_dim3A_64, %scan3A_49 : vector<32x128xi1>, vector<32x128xi32>
      %reshape3A_66 = vector.shape_cast %reduce_min3A_58 : vector<128xi32> to vector<128x1xi32>
      %eq3A_67 = vector.broadcast %reshape3A_66 : vector<128x1xi32> to vector<128x8192xi32>
      %eq3A_68 = arith.cmpi eq, %iota3A, %eq3A_67 : vector<128x8192xi32>
      %jit3A_69 = arith.constant 1.000000e+30 : f32
      %broadcast_in_dim3A_70 = vector.broadcast %jit3A_69 : f32 to vector<128x8192xf32>
      %select_n3A_71 = arith.select %eq3A_68, %broadcast_in_dim3A_70, %get3A_52 : vector<128x8192xi1>, vector<128x8192xf32>
      %swap3A_72 = arith.constant 0 : index
      %swap3A_73 = arith.constant 0 : index
      %swap3A_74 = vector.load %arg4[%swap3A_72, %swap3A_73] : memref<128x8192xf32, #tpu.memory_space<vmem>>, vector<128x8192xf32>
      tpu.vector_store %arg4[%swap3A_72, %swap3A_73], %select_n3A_71 {strides = array<i32>} : memref<128x8192xf32, #tpu.memory_space<vmem>>, vector<128x8192xf32>,
      scf.yield %select_n3A_65 : vector<32x128xi32>
    }
    %scan3A_41 = arith.constant 32 : i32
    %swap3A_42 = arith.constant 0 : index
    %swap3A_43 = arith.constant 0 : index
    %swap3A_44 = arith.constant 0 : index
    %swap3A_45 = vector.load %arg3[%swap3A_42, %swap3A_43, %swap3A_44] : memref<1x32x128xi32, #tpu.memory_space<vmem>>, vector<1x32x128xi32>
    %swap3A_46 = vector.shape_cast %swap3A_45 : vector<1x32x128xi32> to vector<32x128xi32>
    %swap3A_47 = vector.shape_cast %scan3A_40 : vector<32x128xi32> to vector<1x32x128xi32>
    tpu.vector_store %arg3[%swap3A_42, %swap3A_43, %swap3A_44], %swap3A_47 {strides = array<i32>} : memref<1x32x128xi32, #tpu.memory_space<vmem>>, vector<1x32x128xi32>,
    return
  }
  func.func @transform_0(%arg0: i32) -> (i32, i32, i32) {
    %c0_i32 = arith.constant 0 : i32
    %c0_i32_0 = arith.constant 0 : i32
    %c0_i32_1 = arith.constant 0 : i32
    return %arg0, %c0_i32, %c0_i32_0 : i32, i32, i32
  }
  func.func @transform_1(%arg0: i32) -> (i32, i32, i32) {
    %c0_i32 = arith.constant 0 : i32
    %c0_i32_0 = arith.constant 0 : i32
    %c0_i32_1 = arith.constant 0 : i32
    return %arg0, %c0_i32, %c0_i32_0 : i32, i32, i32
  }
  func.func @transform_2(%arg0: i32) -> (i32, i32, i32) {
    %c0_i32 = arith.constant 0 : i32
    %c0_i32_0 = arith.constant 0 : i32
    %c0_i32_1 = arith.constant 0 : i32
    return %arg0, %c0_i32, %c0_i32_0 : i32, i32, i32
  }
}

module attributes {stable_mosaic.version = 14 : i64} {
  func.func @_mlp_body(%arg0: memref<32x16x2048xf32, #tpu.memory_space<vmem>>, %arg1: memref<3x2048xf32, #tpu.memory_space<vmem>>, %arg2: memref<64x8xf32, #tpu.memory_space<vmem>>, %arg3: memref<64x1xf32, #tpu.memory_space<vmem>>, %arg4: memref<64x1xf32, #tpu.memory_space<vmem>>, %arg5: memref<128x64xf32, #tpu.memory_space<vmem>>, %arg6: memref<128x1xf32, #tpu.memory_space<vmem>>, %arg7: memref<128x1xf32, #tpu.memory_space<vmem>>, %arg8: memref<384x128xf32, #tpu.memory_space<vmem>>, %arg9: memref<384x1xf32, #tpu.memory_space<vmem>>, %arg10: memref<384x1xf32, #tpu.memory_space<vmem>>, %arg11: memref<384x2048xf32, #tpu.memory_space<vmem>>, %arg12: memref<32x8x2048xf32, #tpu.memory_space<vmem>>, %arg13: memref<32x64x2048xf32, #tpu.memory_space<vmem>>) attributes {dimension_semantics = [], scalar_prefetch = 0 : i64, scratch_operands = 2 : i64, tpu.core_type = #tpu.core_type<tc>} {
    %get3A = arith.constant 0 : index
    %get3A_0 = arith.constant 0 : index
    %get3A_1 = vector.load %arg1[%get3A, %get3A_0] : memref<3x2048xf32, #tpu.memory_space<vmem>>, vector<3x2048xf32>
    %broadcast_in_dim3A = arith.constant 1.000000e+00 : f32
    %broadcast_in_dim3A_2 = vector.broadcast %broadcast_in_dim3A : f32 to vector<1x2048xf32>
    %broadcast_in_dim3A_3 = arith.constant 0.000000e+00 : f32
    %broadcast_in_dim3A_4 = vector.broadcast %broadcast_in_dim3A_3 : f32 to vector<1x2048xf32>
    %get3A_5 = arith.constant 0 : index
    %get3A_6 = arith.constant 0 : index
    %get3A_7 = vector.load %arg2[%get3A_5, %get3A_6] : memref<64x8xf32, #tpu.memory_space<vmem>>, vector<64x8xf32>
    %get3A_8 = arith.constant 0 : index
    %get3A_9 = arith.constant 0 : index
    %get3A_10 = vector.load %arg5[%get3A_8, %get3A_9] : memref<128x64xf32, #tpu.memory_space<vmem>>, vector<128x64xf32>
    %get3A_11 = arith.constant 0 : index
    %get3A_12 = arith.constant 0 : index
    %get3A_13 = vector.load %arg8[%get3A_11, %get3A_12] : memref<384x128xf32, #tpu.memory_space<vmem>>, vector<384x128xf32>
    %broadcast_in_dim3A_14 = arith.constant 0.000000e+00 : f32
    %broadcast_in_dim3A_15 = vector.broadcast %broadcast_in_dim3A_14 : f32 to vector<8x8xf32>
    %scan3A = arith.constant 0 : i32
    %scan3A_16 = arith.constant 32 : i32
    %scan3A_17 = arith.addi %scan3A, %scan3A_16 : i32
    %scan3A_18 = arith.constant 1 : i32
    %scan3A_19 = scf.for %scan3A_131 = %scan3A to %scan3A_17 step %scan3A_18 iter_args(%scan3A_132 = %broadcast_in_dim3A_15) -> (vector<8x8xf32>)  : i32 {
      %get3A_133 = arith.index_cast %scan3A_131 : i32 to index
      %get3A_134 = arith.constant 0 : index
      %get3A_135 = arith.constant 0 : index
      %get3A_136 = vector.load %arg0[%get3A_133, %get3A_134, %get3A_135] : memref<32x16x2048xf32, #tpu.memory_space<vmem>>, vector<1x16x2048xf32>
      %reshape3A = vector.shape_cast %get3A_136 : vector<1x16x2048xf32> to vector<16x2048xf32>
      %slice3A_137 = vector.extract_strided_slice %reshape3A {offsets = [0, 0], sizes = [3, 2048], strides = [1, 1]} : vector<16x2048xf32> to vector<3x2048xf32>
      %sub3A_138 = arith.subf %slice3A_137, %get3A_1 : vector<3x2048xf32>
      %slice3A_139 = vector.extract_strided_slice %reshape3A {offsets = [3, 0], sizes = [3, 2048], strides = [1, 1]} : vector<16x2048xf32> to vector<3x2048xf32>
      %concatenate3A = tpu.concatenate %sub3A_138, %slice3A_139, %broadcast_in_dim3A_2, %broadcast_in_dim3A_4 in 0 : vector<3x2048xf32>, vector<3x2048xf32>, vector<1x2048xf32>, vector<1x2048xf32> -> vector<8x2048xf32>
      %reshape3A_140 = vector.shape_cast %concatenate3A : vector<8x2048xf32> to vector<1x8x2048xf32>
      %swap3A_141 = arith.index_cast %scan3A_131 : i32 to index
      %swap3A_142 = arith.constant 0 : index
      %swap3A_143 = arith.constant 0 : index
      %swap3A_144 = vector.load %arg12[%swap3A_141, %swap3A_142, %swap3A_143] : memref<32x8x2048xf32, #tpu.memory_space<vmem>>, vector<1x8x2048xf32>
      tpu.vector_store %arg12[%swap3A_141, %swap3A_142, %swap3A_143], %reshape3A_140 {strides = array<i32>} : memref<32x8x2048xf32, #tpu.memory_space<vmem>>, vector<1x8x2048xf32>,
      %dot_general3A_145 = arith.constant dense<0.000000e+00> : vector<8x8xf32>
      %dot_general3A_146 = tpu.matmul %concatenate3A, %concatenate3A, %dot_general3A_145 {dimension_numbers = #tpu.dot_dimension_numbers<[1], [1], [0], [0], [0, 0, 1, 0], [], []>, precision = #tpu.contract_precision<fp32>, transpose_lhs_hint = false} : vector<8x2048xf32>, vector<8x2048xf32>, vector<8x8xf32> -> vector<8x8xf32>
      %add3A_147 = arith.addf %scan3A_132, %dot_general3A_146 : vector<8x8xf32>
      scf.yield %add3A_147 : vector<8x8xf32>
    }
    %scan3A_20 = arith.constant 32 : i32
    %slice3A = vector.extract_strided_slice %scan3A_19 {offsets = [0, 6], sizes = [8, 1], strides = [1, 1]} : vector<8x8xf32> to vector<8x1xf32>
    %dot_general3A = arith.constant dense<0.000000e+00> : vector<64x1xf32>
    %dot_general3A_21 = tpu.matmul %get3A_7, %slice3A, %dot_general3A {dimension_numbers = #tpu.dot_dimension_numbers<[1], [0], [0], [1], [0, 0, 1, 1], [], []>, precision = #tpu.contract_precision<fp32>, transpose_lhs_hint = false} : vector<64x8xf32>, vector<8x1xf32>, vector<64x1xf32> -> vector<64x1xf32>
    %mul3A = arith.constant 1.52587891E-5 : f32
    %mul3A_22 = vector.broadcast %mul3A : f32 to vector<64x1xf32>
    %mul3A_23 = arith.mulf %dot_general3A_21, %mul3A_22 : vector<64x1xf32>
    %dot_general3A_24 = arith.constant dense<0.000000e+00> : vector<64x8xf32>
    %dot_general3A_25 = tpu.matmul %get3A_7, %scan3A_19, %dot_general3A_24 {dimension_numbers = #tpu.dot_dimension_numbers<[1], [0], [0], [1], [0, 0, 1, 1], [], []>, precision = #tpu.contract_precision<fp32>, transpose_lhs_hint = false} : vector<64x8xf32>, vector<8x8xf32>, vector<64x8xf32> -> vector<64x8xf32>
    %mul3A_26 = arith.constant 1.52587891E-5 : f32
    %mul3A_27 = vector.broadcast %mul3A_26 : f32 to vector<64x8xf32>
    %mul3A_28 = arith.mulf %dot_general3A_25, %mul3A_27 : vector<64x8xf32>
    %mul3A_29 = arith.mulf %mul3A_28, %get3A_7 : vector<64x8xf32>
    %reduce_sum3A = arith.constant dense<0.000000e+00> : vector<64xf32>
    %reduce_sum3A_30 = vector.multi_reduction <add>, %mul3A_29, %reduce_sum3A [1] : vector<64x8xf32> to vector<64xf32>
    %broadcast_in_dim3A_31 = vector.shape_cast %reduce_sum3A_30 : vector<64xf32> to vector<64x1xf32>
    %mul3A_32 = arith.mulf %mul3A_23, %mul3A_23 : vector<64x1xf32>
    %sub3A = arith.subf %broadcast_in_dim3A_31, %mul3A_32 : vector<64x1xf32>
    %get3A_33 = arith.constant 0 : index
    %get3A_34 = arith.constant 0 : index
    %get3A_35 = vector.load %arg3[%get3A_33, %get3A_34] : memref<64x1xf32, #tpu.memory_space<vmem>>, vector<64x1xf32>
    %add3A = arith.constant 9.99999974E-6 : f32
    %add3A_36 = vector.broadcast %add3A : f32 to vector<64x1xf32>
    %add3A_37 = arith.addf %sub3A, %add3A_36 : vector<64x1xf32>
    %rsqrt3A = math.rsqrt %add3A_37 : vector<64x1xf32>
    %mul3A_38 = arith.mulf %get3A_35, %rsqrt3A : vector<64x1xf32>
    %get3A_39 = arith.constant 0 : index
    %get3A_40 = arith.constant 0 : index
    %get3A_41 = vector.load %arg4[%get3A_39, %get3A_40] : memref<64x1xf32, #tpu.memory_space<vmem>>, vector<64x1xf32>
    %mul3A_42 = arith.mulf %mul3A_23, %mul3A_38 : vector<64x1xf32>
    %sub3A_43 = arith.subf %get3A_41, %mul3A_42 : vector<64x1xf32>
    %broadcast_in_dim3A_44 = arith.constant 0.000000e+00 : f32
    %broadcast_in_dim3A_45 = vector.broadcast %broadcast_in_dim3A_44 : f32 to vector<64x64xf32>
    %broadcast_in_dim3A_46 = arith.constant 0.000000e+00 : f32
    %broadcast_in_dim3A_47 = vector.broadcast %broadcast_in_dim3A_46 : f32 to vector<64x1xf32>
    %scan3A_48 = arith.constant 0 : i32
    %scan3A_49 = arith.constant 32 : i32
    %scan3A_50 = arith.addi %scan3A_48, %scan3A_49 : i32
    %scan3A_51 = arith.constant 1 : i32
    %scan3A_52:2 = scf.for %scan3A_131 = %scan3A_48 to %scan3A_50 step %scan3A_51 iter_args(%scan3A_132 = %broadcast_in_dim3A_45, %scan3A_133 = %broadcast_in_dim3A_47) -> (vector<64x64xf32>, vector<64x1xf32>)  : i32 {
      %get3A_134 = arith.index_cast %scan3A_131 : i32 to index
      %get3A_135 = arith.constant 0 : index
      %get3A_136 = arith.constant 0 : index
      %get3A_137 = vector.load %arg12[%get3A_134, %get3A_135, %get3A_136] : memref<32x8x2048xf32, #tpu.memory_space<vmem>>, vector<1x8x2048xf32>
      %reshape3A = vector.shape_cast %get3A_137 : vector<1x8x2048xf32> to vector<8x2048xf32>
      %dot_general3A_138 = arith.constant dense<0.000000e+00> : vector<64x2048xf32>
      %dot_general3A_139 = tpu.matmul %get3A_7, %reshape3A, %dot_general3A_138 {dimension_numbers = #tpu.dot_dimension_numbers<[1], [0], [0], [1], [0, 0, 1, 1], [], []>, transpose_lhs_hint = false} : vector<64x8xf32>, vector<8x2048xf32>, vector<64x2048xf32> -> vector<64x2048xf32>
      %mul3A_140 = vector.broadcast %mul3A_38 : vector<64x1xf32> to vector<64x2048xf32>
      %mul3A_141 = arith.mulf %dot_general3A_139, %mul3A_140 : vector<64x2048xf32>
      %add3A_142 = vector.broadcast %sub3A_43 : vector<64x1xf32> to vector<64x2048xf32>
      %add3A_143 = arith.addf %mul3A_141, %add3A_142 : vector<64x2048xf32>
      %max3A = arith.constant 0.000000e+00 : f32
      %max3A_144 = vector.broadcast %max3A : f32 to vector<64x2048xf32>
      %max3A_145 = arith.maximumf %add3A_143, %max3A_144 : vector<64x2048xf32>
      %reshape3A_146 = vector.shape_cast %max3A_145 : vector<64x2048xf32> to vector<1x64x2048xf32>
      %swap3A_147 = arith.index_cast %scan3A_131 : i32 to index
      %swap3A_148 = arith.constant 0 : index
      %swap3A_149 = arith.constant 0 : index
      %swap3A_150 = vector.load %arg13[%swap3A_147, %swap3A_148, %swap3A_149] : memref<32x64x2048xf32, #tpu.memory_space<vmem>>, vector<1x64x2048xf32>
      tpu.vector_store %arg13[%swap3A_147, %swap3A_148, %swap3A_149], %reshape3A_146 {strides = array<i32>} : memref<32x64x2048xf32, #tpu.memory_space<vmem>>, vector<1x64x2048xf32>,
      %dot_general3A_151 = arith.constant dense<0.000000e+00> : vector<64x64xf32>
      %dot_general3A_152 = tpu.matmul %max3A_145, %max3A_145, %dot_general3A_151 {dimension_numbers = #tpu.dot_dimension_numbers<[1], [1], [0], [0], [0, 0, 1, 0], [], []>, precision = #tpu.contract_precision<fp32>, transpose_lhs_hint = false} : vector<64x2048xf32>, vector<64x2048xf32>, vector<64x64xf32> -> vector<64x64xf32>
      %add3A_153 = arith.addf %scan3A_132, %dot_general3A_152 : vector<64x64xf32>
      %reduce_sum3A_154 = arith.constant dense<0.000000e+00> : vector<64xf32>
      %reduce_sum3A_155 = vector.multi_reduction <add>, %max3A_145, %reduce_sum3A_154 [1] : vector<64x2048xf32> to vector<64xf32>
      %broadcast_in_dim3A_156 = vector.shape_cast %reduce_sum3A_155 : vector<64xf32> to vector<64x1xf32>
      %add3A_157 = arith.addf %scan3A_133, %broadcast_in_dim3A_156 : vector<64x1xf32>
      scf.yield %add3A_153, %add3A_157 : vector<64x64xf32>, vector<64x1xf32>
    }
    %scan3A_53 = arith.constant 32 : i32
    %dot_general3A_54 = arith.constant dense<0.000000e+00> : vector<128x1xf32>
    %dot_general3A_55 = tpu.matmul %get3A_10, %scan3A_52#1, %dot_general3A_54 {dimension_numbers = #tpu.dot_dimension_numbers<[1], [0], [0], [1], [0, 0, 1, 1], [], []>, precision = #tpu.contract_precision<fp32>, transpose_lhs_hint = false} : vector<128x64xf32>, vector<64x1xf32>, vector<128x1xf32> -> vector<128x1xf32>
    %mul3A_56 = arith.constant 1.52587891E-5 : f32
    %mul3A_57 = vector.broadcast %mul3A_56 : f32 to vector<128x1xf32>
    %mul3A_58 = arith.mulf %dot_general3A_55, %mul3A_57 : vector<128x1xf32>
    %dot_general3A_59 = arith.constant dense<0.000000e+00> : vector<128x64xf32>
    %dot_general3A_60 = tpu.matmul %get3A_10, %scan3A_52#0, %dot_general3A_59 {dimension_numbers = #tpu.dot_dimension_numbers<[1], [0], [0], [1], [0, 0, 1, 1], [], []>, precision = #tpu.contract_precision<fp32>, transpose_lhs_hint = false} : vector<128x64xf32>, vector<64x64xf32>, vector<128x64xf32> -> vector<128x64xf32>
    %mul3A_61 = arith.constant 1.52587891E-5 : f32
    %mul3A_62 = vector.broadcast %mul3A_61 : f32 to vector<128x64xf32>
    %mul3A_63 = arith.mulf %dot_general3A_60, %mul3A_62 : vector<128x64xf32>
    %mul3A_64 = arith.mulf %mul3A_63, %get3A_10 : vector<128x64xf32>
    %reduce_sum3A_65 = arith.constant dense<0.000000e+00> : vector<128xf32>
    %reduce_sum3A_66 = vector.multi_reduction <add>, %mul3A_64, %reduce_sum3A_65 [1] : vector<128x64xf32> to vector<128xf32>
    %broadcast_in_dim3A_67 = vector.shape_cast %reduce_sum3A_66 : vector<128xf32> to vector<128x1xf32>
    %mul3A_68 = arith.mulf %mul3A_58, %mul3A_58 : vector<128x1xf32>
    %sub3A_69 = arith.subf %broadcast_in_dim3A_67, %mul3A_68 : vector<128x1xf32>
    %get3A_70 = arith.constant 0 : index
    %get3A_71 = arith.constant 0 : index
    %get3A_72 = vector.load %arg6[%get3A_70, %get3A_71] : memref<128x1xf32, #tpu.memory_space<vmem>>, vector<128x1xf32>
    %add3A_73 = arith.constant 9.99999974E-6 : f32
    %add3A_74 = vector.broadcast %add3A_73 : f32 to vector<128x1xf32>
    %add3A_75 = arith.addf %sub3A_69, %add3A_74 : vector<128x1xf32>
    %rsqrt3A_76 = math.rsqrt %add3A_75 : vector<128x1xf32>
    %mul3A_77 = arith.mulf %get3A_72, %rsqrt3A_76 : vector<128x1xf32>
    %get3A_78 = arith.constant 0 : index
    %get3A_79 = arith.constant 0 : index
    %get3A_80 = vector.load %arg7[%get3A_78, %get3A_79] : memref<128x1xf32, #tpu.memory_space<vmem>>, vector<128x1xf32>
    %mul3A_81 = arith.mulf %mul3A_58, %mul3A_77 : vector<128x1xf32>
    %sub3A_82 = arith.subf %get3A_80, %mul3A_81 : vector<128x1xf32>
    %broadcast_in_dim3A_83 = arith.constant 0.000000e+00 : f32
    %broadcast_in_dim3A_84 = vector.broadcast %broadcast_in_dim3A_83 : f32 to vector<128x128xf32>
    %broadcast_in_dim3A_85 = arith.constant 0.000000e+00 : f32
    %broadcast_in_dim3A_86 = vector.broadcast %broadcast_in_dim3A_85 : f32 to vector<128x1xf32>
    %scan3A_87 = arith.constant 0 : i32
    %scan3A_88 = arith.constant 32 : i32
    %scan3A_89 = arith.addi %scan3A_87, %scan3A_88 : i32
    %scan3A_90 = arith.constant 1 : i32
    %scan3A_91:2 = scf.for %scan3A_131 = %scan3A_87 to %scan3A_89 step %scan3A_90 iter_args(%scan3A_132 = %broadcast_in_dim3A_84, %scan3A_133 = %broadcast_in_dim3A_86) -> (vector<128x128xf32>, vector<128x1xf32>)  : i32 {
      %get3A_134 = arith.index_cast %scan3A_131 : i32 to index
      %get3A_135 = arith.constant 0 : index
      %get3A_136 = arith.constant 0 : index
      %get3A_137 = vector.load %arg13[%get3A_134, %get3A_135, %get3A_136] : memref<32x64x2048xf32, #tpu.memory_space<vmem>>, vector<1x64x2048xf32>
      %reshape3A = vector.shape_cast %get3A_137 : vector<1x64x2048xf32> to vector<64x2048xf32>
      %dot_general3A_138 = arith.constant dense<0.000000e+00> : vector<128x2048xf32>
      %dot_general3A_139 = tpu.matmul %get3A_10, %reshape3A, %dot_general3A_138 {dimension_numbers = #tpu.dot_dimension_numbers<[1], [0], [0], [1], [0, 0, 1, 1], [], []>, transpose_lhs_hint = false} : vector<128x64xf32>, vector<64x2048xf32>, vector<128x2048xf32> -> vector<128x2048xf32>
      %mul3A_140 = vector.broadcast %mul3A_77 : vector<128x1xf32> to vector<128x2048xf32>
      %mul3A_141 = arith.mulf %dot_general3A_139, %mul3A_140 : vector<128x2048xf32>
      %add3A_142 = vector.broadcast %sub3A_82 : vector<128x1xf32> to vector<128x2048xf32>
      %add3A_143 = arith.addf %mul3A_141, %add3A_142 : vector<128x2048xf32>
      %max3A = arith.constant 0.000000e+00 : f32
      %max3A_144 = vector.broadcast %max3A : f32 to vector<128x2048xf32>
      %max3A_145 = arith.maximumf %add3A_143, %max3A_144 : vector<128x2048xf32>
      %dot_general3A_146 = arith.constant dense<0.000000e+00> : vector<128x128xf32>
      %dot_general3A_147 = tpu.matmul %max3A_145, %max3A_145, %dot_general3A_146 {dimension_numbers = #tpu.dot_dimension_numbers<[1], [1], [0], [0], [0, 0, 1, 0], [], []>, precision = #tpu.contract_precision<fp32>, transpose_lhs_hint = false} : vector<128x2048xf32>, vector<128x2048xf32>, vector<128x128xf32> -> vector<128x128xf32>
      %add3A_148 = arith.addf %scan3A_132, %dot_general3A_147 : vector<128x128xf32>
      %reduce_sum3A_149 = arith.constant dense<0.000000e+00> : vector<128xf32>
      %reduce_sum3A_150 = vector.multi_reduction <add>, %max3A_145, %reduce_sum3A_149 [1] : vector<128x2048xf32> to vector<128xf32>
      %broadcast_in_dim3A_151 = vector.shape_cast %reduce_sum3A_150 : vector<128xf32> to vector<128x1xf32>
      %add3A_152 = arith.addf %scan3A_133, %broadcast_in_dim3A_151 : vector<128x1xf32>
      scf.yield %add3A_148, %add3A_152 : vector<128x128xf32>, vector<128x1xf32>
    }
    %scan3A_92 = arith.constant 32 : i32
    %dot_general3A_93 = arith.constant dense<0.000000e+00> : vector<384x1xf32>
    %dot_general3A_94 = tpu.matmul %get3A_13, %scan3A_91#1, %dot_general3A_93 {dimension_numbers = #tpu.dot_dimension_numbers<[1], [0], [0], [1], [0, 0, 1, 1], [], []>, precision = #tpu.contract_precision<fp32>, transpose_lhs_hint = false} : vector<384x128xf32>, vector<128x1xf32>, vector<384x1xf32> -> vector<384x1xf32>
    %mul3A_95 = arith.constant 1.52587891E-5 : f32
    %mul3A_96 = vector.broadcast %mul3A_95 : f32 to vector<384x1xf32>
    %mul3A_97 = arith.mulf %dot_general3A_94, %mul3A_96 : vector<384x1xf32>
    %dot_general3A_98 = arith.constant dense<0.000000e+00> : vector<384x128xf32>
    %dot_general3A_99 = tpu.matmul %get3A_13, %scan3A_91#0, %dot_general3A_98 {dimension_numbers = #tpu.dot_dimension_numbers<[1], [0], [0], [1], [0, 0, 1, 1], [], []>, precision = #tpu.contract_precision<fp32>, transpose_lhs_hint = false} : vector<384x128xf32>, vector<128x128xf32>, vector<384x128xf32> -> vector<384x128xf32>
    %mul3A_100 = arith.constant 1.52587891E-5 : f32
    %mul3A_101 = vector.broadcast %mul3A_100 : f32 to vector<384x128xf32>
    %mul3A_102 = arith.mulf %dot_general3A_99, %mul3A_101 : vector<384x128xf32>
    %mul3A_103 = arith.mulf %mul3A_102, %get3A_13 : vector<384x128xf32>
    %reduce_sum3A_104 = arith.constant dense<0.000000e+00> : vector<384xf32>
    %reduce_sum3A_105 = vector.multi_reduction <add>, %mul3A_103, %reduce_sum3A_104 [1] : vector<384x128xf32> to vector<384xf32>
    %broadcast_in_dim3A_106 = vector.shape_cast %reduce_sum3A_105 : vector<384xf32> to vector<384x1xf32>
    %mul3A_107 = arith.mulf %mul3A_97, %mul3A_97 : vector<384x1xf32>
    %sub3A_108 = arith.subf %broadcast_in_dim3A_106, %mul3A_107 : vector<384x1xf32>
    %get3A_109 = arith.constant 0 : index
    %get3A_110 = arith.constant 0 : index
    %get3A_111 = vector.load %arg9[%get3A_109, %get3A_110] : memref<384x1xf32, #tpu.memory_space<vmem>>, vector<384x1xf32>
    %add3A_112 = arith.constant 9.99999974E-6 : f32
    %add3A_113 = vector.broadcast %add3A_112 : f32 to vector<384x1xf32>
    %add3A_114 = arith.addf %sub3A_108, %add3A_113 : vector<384x1xf32>
    %rsqrt3A_115 = math.rsqrt %add3A_114 : vector<384x1xf32>
    %mul3A_116 = arith.mulf %get3A_111, %rsqrt3A_115 : vector<384x1xf32>
    %get3A_117 = arith.constant 0 : index
    %get3A_118 = arith.constant 0 : index
    %get3A_119 = vector.load %arg10[%get3A_117, %get3A_118] : memref<384x1xf32, #tpu.memory_space<vmem>>, vector<384x1xf32>
    %mul3A_120 = arith.mulf %mul3A_97, %mul3A_116 : vector<384x1xf32>
    %sub3A_121 = arith.subf %get3A_119, %mul3A_120 : vector<384x1xf32>
    %broadcast_in_dim3A_122 = arith.constant 0xFF800000 : f32
    %broadcast_in_dim3A_123 = vector.broadcast %broadcast_in_dim3A_122 : f32 to vector<384x2048xf32>
    %swap3A = arith.constant 0 : index
    %swap3A_124 = arith.constant 0 : index
    %swap3A_125 = vector.load %arg11[%swap3A, %swap3A_124] : memref<384x2048xf32, #tpu.memory_space<vmem>>, vector<384x2048xf32>
    tpu.vector_store %arg11[%swap3A, %swap3A_124], %broadcast_in_dim3A_123 {strides = array<i32>} : memref<384x2048xf32, #tpu.memory_space<vmem>>, vector<384x2048xf32>,
    %scan3A_126 = arith.constant 0 : i32
    %scan3A_127 = arith.constant 32 : i32
    %scan3A_128 = arith.addi %scan3A_126, %scan3A_127 : i32
    %scan3A_129 = arith.constant 1 : i32
    scf.for %scan3A_131 = %scan3A_126 to %scan3A_128 step %scan3A_129  : i32 {
      %get3A_132 = arith.index_cast %scan3A_131 : i32 to index
      %get3A_133 = arith.constant 0 : index
      %get3A_134 = arith.constant 0 : index
      %get3A_135 = vector.load %arg13[%get3A_132, %get3A_133, %get3A_134] : memref<32x64x2048xf32, #tpu.memory_space<vmem>>, vector<1x64x2048xf32>
      %reshape3A = vector.shape_cast %get3A_135 : vector<1x64x2048xf32> to vector<64x2048xf32>
      %dot_general3A_136 = arith.constant dense<0.000000e+00> : vector<128x2048xf32>
      %dot_general3A_137 = tpu.matmul %get3A_10, %reshape3A, %dot_general3A_136 {dimension_numbers = #tpu.dot_dimension_numbers<[1], [0], [0], [1], [0, 0, 1, 1], [], []>, transpose_lhs_hint = false} : vector<128x64xf32>, vector<64x2048xf32>, vector<128x2048xf32> -> vector<128x2048xf32>
      %mul3A_138 = vector.broadcast %mul3A_77 : vector<128x1xf32> to vector<128x2048xf32>
      %mul3A_139 = arith.mulf %dot_general3A_137, %mul3A_138 : vector<128x2048xf32>
      %add3A_140 = vector.broadcast %sub3A_82 : vector<128x1xf32> to vector<128x2048xf32>
      %add3A_141 = arith.addf %mul3A_139, %add3A_140 : vector<128x2048xf32>
      %max3A = arith.constant 0.000000e+00 : f32
      %max3A_142 = vector.broadcast %max3A : f32 to vector<128x2048xf32>
      %max3A_143 = arith.maximumf %add3A_141, %max3A_142 : vector<128x2048xf32>
      %dot_general3A_144 = arith.constant dense<0.000000e+00> : vector<384x2048xf32>
      %dot_general3A_145 = tpu.matmul %get3A_13, %max3A_143, %dot_general3A_144 {dimension_numbers = #tpu.dot_dimension_numbers<[1], [0], [0], [1], [0, 0, 1, 1], [], []>, transpose_lhs_hint = false} : vector<384x128xf32>, vector<128x2048xf32>, vector<384x2048xf32> -> vector<384x2048xf32>
      %mul3A_146 = vector.broadcast %mul3A_116 : vector<384x1xf32> to vector<384x2048xf32>
      %mul3A_147 = arith.mulf %dot_general3A_145, %mul3A_146 : vector<384x2048xf32>
      %add3A_148 = vector.broadcast %sub3A_121 : vector<384x1xf32> to vector<384x2048xf32>
      %add3A_149 = arith.addf %mul3A_147, %add3A_148 : vector<384x2048xf32>
      %get3A_150 = arith.constant 0 : index
      %get3A_151 = arith.constant 0 : index
      %get3A_152 = vector.load %arg11[%get3A_150, %get3A_151] : memref<384x2048xf32, #tpu.memory_space<vmem>>, vector<384x2048xf32>
      %max3A_153 = arith.maximumf %get3A_152, %add3A_149 : vector<384x2048xf32>
      %swap3A_154 = arith.constant 0 : index
      %swap3A_155 = arith.constant 0 : index
      %swap3A_156 = vector.load %arg11[%swap3A_154, %swap3A_155] : memref<384x2048xf32, #tpu.memory_space<vmem>>, vector<384x2048xf32>
      tpu.vector_store %arg11[%swap3A_154, %swap3A_155], %max3A_153 {strides = array<i32>} : memref<384x2048xf32, #tpu.memory_space<vmem>>, vector<384x2048xf32>,
    }
    %scan3A_130 = arith.constant 32 : i32
    return
  }
}

</mosaic_0001>

<sc_bundles>
// kernel: kernel.6.cloned.1.call-start
scs
__scs_entry_jumppad:
0x0: {  	(pc) =	sbr.rel $0x88, $3  }
0x1: {  	(tag) =	ssettag $0x0;
	lr =	simm.s32 $0x1  }
0x2: {  	[smem:$0x3F96] =	sst lr;
	_ =	strace $0xD0000000  }
0x3: {  	_ = 	snop  }
0x4: {  	_ = 	snop  }
0x5: {  	_ = 	snop  }
0x6: {  	_ = 	snop  }
0x7: {  	_ = 	snop  }
__scs_overlays_trampoline_lowered:
0x8: {  	[smem:$0x3FA5] =	sst s0  }
0x9: {  	[smem:$0x3FA6] =	sst s1  }
0xa: {  	[smem:$0x3FA7] =	sst s2  }
0xb: {  	[smem:$0x3FA8] =	sst s3  }
0xc: {  	[smem:$0x3FA9] =	sst s4  }
0xd: {  	[smem:$0x3FAA] =	sst s5  }
0xe: {  	[smem:$0x3FAB] =	sst s6  }
0xf: {  	[smem:$0x3FAC] =	sst s7  }
0x10: {  	[smem:$0x3FAD] =	sst s8  }
0x11: {  	[smem:$0x3FAE] =	sst s9;
	s0 =	simm.s32 @!p0 $0x0  }
0x12: {  	s1 =	sld [smem:$0x3F94];
	s0 =	simm.s32 @p0 $0x1  }
0x13: {  	[smem:$0x3FAF] =	sst s0;
	s0 =	simm.s32 @!p1 $0x0  }
0x14: {  	s2 =	sld [smem:$0x3F93];
	s0 =	simm.s32 @p1 $0x1  }
0x15: {  	[smem:$0x3FB0] =	sst s0;
	s0 =	simm.s32 @!p2 $0x0  }
0x16: {  	s3 =	sld [smem:$0x3FDB];
	s0 =	simm.s32 @p2 $0x1  }
0x17: {  	s4 =	simm.s32 $0x1BF5;
	[smem:$0x3FB2] =	sst s0  }
0x18: {  	s0 =	sld [smem:$0x3F95];
	_ =	swait.ge [sflag:s4], $0x0  }
0x19: {  	s7 =	sld [smem:$0x3F96]  }
0x1a: {  	s8 =	sadd.s32 $0xFFFFE003, lr  }
0x1b: {  	s9 =	sadd.s32 $0xFFFFFEF7, lr;
	s5 =	simm.s32 $0xFFFFFFFF;
	p2 =	slt.u32 s8, $0xFFFFF086  }
0x1c: {  	p1 =	slt.u32 s9, $0xF7A;
	s5 =	simm.s32 @!p2 $0x0  }
0x1d: {  	s5 =	simm.s32 @p1 $0x1;
	p0 =	seq.s32 s7, s2  }
0x1e: {  	s7 =	smul.u32 @!p0 $0xF7A, s2;
	p2 =	seq.s32 @!p0 s5, $0x0  }
0x1f: {  	s9 =	smul.u32 $0xF7A, s1;
	s8 =	simm.s32 @!p0 $0x1BF5;
	p2 =	por !p2, p0  }
0x20: {  	[sflag:s8] =	ssyncset.s32 @!p0 $0xFFFFF086;
	s6 =	sadd.s32 @!p0 s3, s7;
	s7 =	simm.s32 @!p0 $0x108  }
0x21: {  	s3 =	sadd.s32 s3, s9;
	s6 =	sadd.s32 @!p0 $0x88, s6;
	s7 =	simm.s32 @p2 $0x1082  }
0x22: {  	[simem:s7], [sflag:s8] =	dma.local @!p0 [hbm:s6], $0xF7A  }
0x23: {  	s9 =	sor.u32 $0xD0000000, s2;
	s6 =	simm.s32 $0x108;
	_ =	swait.ge @!p0 [sflag:s8], $0x0  }
0x24: {  	s3 =	sadd.s32 $0x88, s3;
	s6 =	simm.s32 @!p1 $0x1082;
	[sflag:s4] =	ssyncset.s32 $0xFFFFF086  }
0x25: {  	[simem:s6], [sflag:s4] =	dma.local [hbm:s3], $0xF7A  }
0x26: {  	[smem:$0x3F96] =	sst s1;
	(tag) =	ssettag s2;
	_ =	strace s9  }
0x27: {  	s1 =	sld [smem:$0x3FA6]  }
0x28: {  	s2 =	sld [smem:$0x3FA7]  }
0x29: {  	s4 =	sld [smem:$0x3FA9]  }
0x2a: {  	p0 =	seq.s32 s5, $0x0;
	s5 =	sld [smem:$0x3FAA]  }
0x2b: {  	s6 =	sld [smem:$0x3FAB]  }
0x2c: {  	s7 =	sld [smem:$0x3FAC]  }
0x2d: {  	s3 =	simm.s32 $0x108;
	s8 =	sld [smem:$0x3FAD]  }
0x2e: {  	s3 =	simm.s32 @!p0 $0x1082;
	s9 =	sld [smem:$0x3FAE]  }
0x2f: {  	lr =	sadd.s32 s0, s3;
	s0 =	sld [smem:$0x3FA5]  }
0x30: {  	s3 =	sld [smem:$0x3FA8]  }
0x31: {  	[smem:$0x3FB1] =	sst s10  }
0x32: {  	s10 =	sld [smem:$0x3FAF];
	_ =	sdelay $0x3  }
0x33: {  	p0 =	seq.s32 s10, $0x1;
	s10 =	sld [smem:$0x3FB1];
	_ =	sdelay $0x3  }
0x34: {  	[smem:$0x3FB1] =	sst s10  }
0x35: {  	s10 =	sld [smem:$0x3FB0];
	_ =	sdelay $0x3  }
0x36: {  	p1 =	seq.s32 s10, $0x1;
	s10 =	sld [smem:$0x3FB1];
	_ =	sdelay $0x3  }
0x37: {  	[smem:$0x3FB1] =	sst s10  }
0x38: {  	s10 =	sld [smem:$0x3FB2]  }
0x39: {  	_ = 	snop;
	(pc) =	sbr.ind lr, $3  }
0x3a: {  	_ = 	snop  }
0x3b: {  	_ = 	snop  }
0x3c: {  	p2 =	seq.s32 s10, $0x1;
	s10 =	sld [smem:$0x3FB1]  }
0x3d: {  	_ =	shalt  }
0x3e: {  	_ =	shalt  }
0x3f: {  	_ =	shalt  }
0x40: {  	_ =	shalt  }
0x41: {  	_ =	shalt  }
0x42: {  	_ =	shalt  }
0x43: {  	_ =	shalt  }
0x44: {  	_ =	shalt  }
0x45: {  	_ =	shalt  }
0x46: {  	_ =	shalt  }
0x47: {  	_ =	shalt  }
0x48: {  	_ =	shalt  }
0x49: {  	_ =	shalt  }
0x4a: {  	_ =	shalt  }
0x4b: {  	_ =	shalt  }
0x4c: {  	_ =	shalt  }
0x4d: {  	_ =	shalt  }
0x4e: {  	_ =	shalt  }
0x4f: {  	_ =	shalt  }
0x50: {  	_ =	shalt  }
0x51: {  	_ =	shalt  }
0x52: {  	_ =	shalt  }
0x53: {  	_ =	shalt  }
0x54: {  	_ =	shalt  }
0x55: {  	_ =	shalt  }
0x56: {  	_ =	shalt  }
0x57: {  	_ =	shalt  }
0x58: {  	_ =	shalt  }
0x59: {  	_ =	shalt  }
0x5a: {  	_ =	shalt  }
0x5b: {  	_ =	shalt  }
0x5c: {  	_ =	shalt  }
0x5d: {  	_ =	shalt  }
0x5e: {  	_ =	shalt  }
0x5f: {  	_ =	shalt  }
0x60: {  	_ =	shalt  }
0x61: {  	_ =	shalt  }
0x62: {  	_ =	shalt  }
0x63: {  	_ =	shalt  }
0x64: {  	_ =	shalt  }
0x65: {  	_ =	shalt  }
0x66: {  	_ =	shalt  }
0x67: {  	_ =	shalt  }
0x68: {  	_ =	shalt  }
0x69: {  	_ =	shalt  }
0x6a: {  	_ =	shalt  }
0x6b: {  	_ =	shalt  }
0x6c: {  	_ =	shalt  }
0x6d: {  	_ =	shalt  }
0x6e: {  	_ =	shalt  }
0x6f: {  	_ =	shalt  }
0x70: {  	_ =	shalt  }
0x71: {  	_ =	shalt  }
0x72: {  	_ =	shalt  }
0x73: {  	_ =	shalt  }
0x74: {  	_ =	shalt  }
0x75: {  	_ =	shalt  }
0x76: {  	_ =	shalt  }
0x77: {  	_ =	shalt  }
0x78: {  	_ =	shalt  }
0x79: {  	_ =	shalt  }
0x7a: {  	_ =	shalt  }
0x7b: {  	_ =	shalt  }
0x7c: {  	_ =	shalt  }
0x7d: {  	_ =	shalt  }
0x7e: {  	_ =	shalt  }
0x7f: {  	_ =	shalt  }
0x80: {  	_ =	shalt  }
0x81: {  	_ =	shalt  }
0x82: {  	_ =	shalt  }
0x83: {  	_ =	shalt  }
0x84: {  	_ =	shalt  }
0x85: {  	_ =	shalt  }
0x86: {  	_ =	shalt  }
0x87: {  	_ =	shalt  }
.Lfunc_end0:
.L_simem_size_0:
called_computation_lowered:
.L_overlay_start_0:
0x88: {  	s2 =	sld [smem:$0x3FD9]  }
0x89: {  	s3 =	sld [smem:$0x3FFE];
	_ =	sdelay $0x1  }
0x8a: {  	s1 =	srdreg.scid  }
0x8b: {  	s0 =	sand.u32 $0x1, s1  }
0x8c: {  	s14 =	sshll.u32 s0, $0xA;
	s2 =	sadd.s32 s3, s2  }
0x8d: {  	s2 =	sadd.s32 s2, s14  }
0x8e: {  	[smem:$0x3FBD] =	sst s2  }
0x8f: {  	_ = 	snop  }
0x90: {  	s2 =	sld [smem:$0x3FD0];
	_ =	sdelay $0x2  }
0x91: {  	s15 =	simm.s32 $0xA;
	s4 =	simm.s32 $0x10  }
0x92: {  	[smem:s4], [sflag:s15] =	dma.local [hbm:s2], $0x1  }
0x93: {  	_ =	swait.eq [sflag:s15], $0x1  }
0x94: {  	[sflag:s15] =	ssyncset.done $0x0  }
0x95: {  	[sflag:s15] =	ssyncadd.s32 $0xFFFFFFFF  }
0x96: {  	s16 =	sld [smem:$0x11];
	(tm) =	ssettm $0x1  }
0x97: {  	s17 =	sld [smem:$0x3FFB];
	_ =	sdelay $0x3  }
0x98: {  	_ =	strace s17  }
0x99: {  	s3 =	sld [smem:$0x3FFC];
	_ =	sdelay $0x3  }
0x9a: {  	_ =	strace s3  }
0x9b: {  	s3 =	sld [smem:$0x3FFD];
	_ =	sdelay $0x3  }
0x9c: {  	_ =	strace s3  }
0x9d: {  	_ =	strace $0x8FFFFFFF  }
0x9e: {  	s18 =	sld [smem:$0x3FDB];
	_ =	sdelay $0x1  }
0x9f: {  	s19 =	simm.s32 $_scs_section_size  }
0xa0: {  	s5 =	simm.s32 $_size__tile_overlayer_lowered;
	s6 =	simm.s32 $_tile_overlayer_lowered  }
0xa1: {  	s22 =	simm.s32 $0x1BFF;
	s21 =	sshll.u32 s6, $0x1;
	s3 =	sadd.s32 s19, s18  }
0xa2: {  	s7 =	simm.s32 $0x0;
	s20 =	sshll.u32 s5, $0x1;
	s5 =	sadd.s32 s21, s3  }
0xa3: {  	[timem:s7], [sflag:s22] =	dma.local [hbm:s5], s20  }
0xa4: {  	_ =	swait.ge [sflag:s22], s20  }
0xa5: {  	s4 =	ssub.s32 $0x0, s20;
	[sflag:s22] =	ssyncset.done $0x0  }
0xa6: {  	[sflag:s22] =	ssyncadd.s32 s4;
	_ =	sdelay $0x1  }
0xa7: {  	s23 =	simm.s32 $0x1B8B  }
0xa8: {  	_ =	swait.ge [sflag:s23], $0x1  }
0xa9: {  	[sflag:s23] =	ssyncset.done $0x0  }
0xaa: {  	s25 =	simm.s32 $0x1B8E;
	s24 =	sld [smem:$0x3FFE];
	[sflag:s23] =	ssyncadd.s32 $0xFFFFFFFF  }
0xab: {  	s26 =	simm.s32 $execute0_lowered;
	[smem:$0x3FD2] =	sst s25  }
0xac: {  	s5 =	sshll.u32 s26, $0x1;
	_ =	strace $0x80000046;
	[dreg:$0x1] =	wrdreg $0xFFFFFFFF  }
0xad: {  	s28 =	simm.s32 $_size_execute0_lowered;
	s3 =	sadd.s32 s3, s5;
	[dreg:$0x0] =	wrdreg $0x0  }
0xae: {  	s5 =	sshll.u32 s28, $0x1;
	[dreg:$0x2] =	wrdreg s3  }
0xaf: {  	[dreg:$0x3] =	wrdreg s5  }
0xb0: {  	[dreg:$0x4] =	wrdreg $0xC0  }
0xb1: {  	_ =	task [dreg:s7], $0x5FFFF  }
0xb2: {  	[dreg:$0x1] =	wrdreg $0xFFFFFFFF  }
0xb3: {  	[dreg:$0x0] =	wrdreg $0x60  }
0xb4: {  	[dreg:$0x2] =	wrdreg s24  }
0xb5: {  	[dreg:$0x3] =	wrdreg s16  }
0xb6: {  	[dreg:$0x4] =	wrdreg $0x9  }
0xb7: {  	_ =	task.clear_ibuf [dreg:s7], $0x5FFFF;
	_ =	strace $0x90000046  }
0xb8: {  	s29 =	simm.s32 $0x9;
	_ =	strace $0x80000048  }
0xb9: {  	_ =	swait.ge [sflag:s29], $0x1  }
0xba: {  	[sflag:s29] =	ssyncadd.s32 $0xFFFFFFFF  }
0xbb: {  	_ =	strace $0x90000048  }
0xbc: {  	_ =	sfence  }
0xbd: {  	s30 =	sld [smem:$0x0];
	_ =	sdelay $0x2  }
0xbe: {  	s31 =	sshll.u32 s1, $0xD;
	s1 =	sshrl.u32 s1, $0x2  }
0xbf: {  	s3 =	sand.u32 $0x4000, s31;
	s1 =	sadd.s32 s1, s30  }
0xc0: {  	s0 =	sor.u32 s3, s0;
	s1 =	sshll.u32 s1, $0x11  }
0xc1: {  	s0 =	sor.u32 s1, s0  }
0xc2: {  	s0 =	sadd.s32 $0x8F2B, s0  }
0xc3: {  	[sflag:s0] =	ssyncadd.remote.s32 $0x1  }
0xc4: {  	_ =	sfence.sel $0xFFFF  }
0xc5: {  	[dreg:$0x0] =	wrdreg $0xFFFFFFFF;
	(pc) =	sbr.abs _section_cstart, $3  }
0xc6: {  	[dreg:$0x1] =	wrdreg $0xFFFFFFFF  }
0xc7: {  	_ =	task.clear_ibuf [dreg:s7], $0x2FFFF;
	_ =	strace $0x9FFFFFFF  }
0xc8: {  	(tm) =	ssettm $0x7FFFFFFF  }
0xc9: {  	_ =	shalt  }
tec
execute0_lowered:
.L_overlay_start_1:
0x0: {  	(tag) =	ssettag $0x1  }
0x1: {  	s1 =	srdreg.scid  }
0x2: {  	s8 =	rddreg [dreg:$0x0];
	s0 =	stileid.u32  }
0x3: {  	s3 =	rddreg [dreg:$0x1];
	s2 =	simm.s32 $0x0;
	s6 =	sand.u32 $0x1, s1  }
0x4: {  	s4 =	sshll.u32 s0, $0xC;
	s1 =	rddreg [dreg:$0x2];
	s5 =	sshll.u32 s6, $0xB  }
0x5: {  	s7 =	simm.s32 $0x1;
	[smem:$0x7FF] =	sst s2;
	s9 =	sor.u32 s5, s4  }
0x6: {  	_ =	strace $0x80000047;
	s10 =	ssub.s32 $0x2, s6;
	s4 =	sshrl.u32 s9, $0x3  }
0x7: {  	s6 =	simm.s32 $0x800;
	s4 =	sadd.s32 s3, s4;
	s3 =	simm.s32 $0x2  }
0x8: {  	[tilespmem:s2], [sflag:$0x2] =	stream.linear.gather [hbm4b:s4+s2], $0x800, $0x38;
	[tilespmem:$0x8800] =	vst v63  }
0x9: {  	s5 =	sadd.s32 $0x1C00, s8;
	s11 =	sshrl.u32 s10, $0x1;
	_ =	swait.ge [sflag:s3], $0x800  }
0xa: {  	s9 =	sshll.u32 s9, $0x1;
	s31 =	ssub.s32 s10, s11;
	[sflag:s3] =	ssyncset.done $0x0  }
0xb: {  	s8 =	sadd.s32 s9, s8;
	s9 =	smax.u32 s31, $0x1;
	[sflag:s3] =	ssyncadd.s32 $0xFFFFF800  }
0xc: {  	[tilespmem:s6], [sflag:$0x1] =	stream.indirect.gather [hbm4b:s5+s6], $0x10, s2, s6, $0xb8;
	[tilespmem:$0x8800] =	vst v63  }
0xd: {  	p0 =	sne.s32 s9, $0x1;
	_ =	swait.ge [sflag:s7], $0x8000  }
.Ltmp0:
0xe: {  	[sflag:s7] =	ssyncset.done $0x0;
	(pc) =	sbr.rel @!p0 .LBB2_2-.Ltmp0, $4  }
0xf: {  	s8 =	sadd.s32 $0x41C00, s8;
	[sflag:s7] =	ssyncadd.s32 $0xFFFF8000  }
0x10: {  	[hbm4b:s8+s2] =	stream.linear.scatter [tilespmem:s6], [sflag:$0x2], $0x8000, $0x38;
	[tilespmem:$0x8800] =	vst v63  }
0x11: {  	_ =	swait.ge [sflag:s3], $0x8000  }
0x12: {  	s9 =	sadd.s32 $0xFFFFFFFF, s9;
	[sflag:s3] =	ssyncset.done $0x0  }
.LBB2_1:
0x13: {  	p0 =	sne.s32 s9, $0x1;
	s9 =	sadd.s32 $0xFFFFFFFF, s9;
	[sflag:s3] =	ssyncadd.s32 $0xFFFF8000  }
0x14: {  	[tilespmem:s2], [sflag:$0x2] =	stream.linear.gather [hbm4b:s4+s2], $0x800, $0x38;
	[tilespmem:$0x8800] =	vst v63  }
0x15: {  	_ =	swait.ge [sflag:s3], $0x800  }
0x16: {  	[sflag:s3] =	ssyncset.done $0x0  }
0x17: {  	[sflag:s3] =	ssyncadd.s32 $0xFFFFF800  }
0x18: {  	[tilespmem:s6], [sflag:$0x1] =	stream.indirect.gather [hbm4b:s5+s6], $0x10, s2, s6, $0xb8;
	[tilespmem:$0x8800] =	vst v63  }
0x19: {  	_ =	swait.ge [sflag:s7], $0x8000  }
.Ltmp1:
0x1a: {  	[sflag:s7] =	ssyncset.done $0x0;
	(pc) =	sbr.rel @p0 .LBB2_1-.Ltmp1, $4  }
0x1b: {  	[sflag:s7] =	ssyncadd.s32 $0xFFFF8000  }
0x1c: {  	[hbm4b:s8+s2] =	stream.linear.scatter [tilespmem:s6], [sflag:$0x2], $0x8000, $0x38;
	[tilespmem:$0x8800] =	vst v63  }
0x1d: {  	_ =	swait.ge [sflag:s3], $0x8000  }
0x1e: {  	[sflag:s3] =	ssyncset.done $0x0  }
.LBB2_2:
0x1f: {  	[sflag:s3] =	ssyncadd.s32 $0xFFFF8000  }
0x20: {  	_ =	sfence.sel $0x180000  }
0x21: {  	[bflag:$0x0] =	sbarrier.arrive $0xFFFF  }
0x22: {  	p0 =	sne.s32 s0, $0x0;
	_ =	strace $0x90000047  }
0x23: {  	s0 =	sadd.s32 @!p0 $0x100000, s1;
	[bflag:$0x2] =	sbarrier.arrive $0xFFFF  }
0x24: {  	[sflag:s0] =	ssyncadd.tile.s32 @!p0 $0x1;
	_ =	shalt  }
.Lfunc_end2:
_tile_overlayer_lowered:
.L_overlay_start_2:
0x25: {  	(tag) =	ssettag $0x2  }
0x26: {  	s0 =	rddreg [dreg:$0x0];
	s2 =	stileid.u32  }
0x27: {  	s1 =	rddreg [dreg:$0x1];
	p0 =	sne.s32 s2, $0x0  }
0x28: {  	s3 =	rddreg [dreg:$0x2];
	[bflag:$0x3] =	sbarrier.arrive $0xFFFF;
	s2 =	simm.s32 @!p0 $0x1C02  }
0x29: {  	[timem:s3], [sflag:s2] =	dma.local @!p0 [hbm:s0], s1  }
0x2a: {  	s0 =	simm.s32 @!p0 $0x2  }
0x2b: {  	_ =	swait.ge @!p0 [sflag:s0], s1  }
0x2c: {  	s1 =	ssub.s32 @!p0 $0x0, s1;
	[sflag:s0] =	ssyncset.done @!p0 $0x0  }
0x2d: {  	[sflag:s0] =	ssyncadd.s32 @!p0 s1  }
0x2e: {  	[bflag:$0x3] =	sbarrier.arrive $0xFFFF  }
0x2f: {  	_ =	shalt  }

</sc_bundles>
